<compile_context>
chip_gen: v7x
topology: tpu7x:2x2x1
jax: 0.10.2.dev20260603
libtpu: 0.0.44.dev20260713+nightly
codegen_flags: <defaults>
</compile_context>

<pallas_src>
import functools

import jax
import jax.numpy as jnp
from jax import lax
from jax.experimental import pallas as pl
from jax.experimental.pallas import tpu as pltpu
from jax.experimental.pallas import tpu_sc as plsc

SET_SIZE = 100000
EMBED_DIM = 16
BATCH = 1024

TV = 2048
VPAD = 100352
NV = VPAD // TV
TVS = 7168
NVS = VPAD // TVS
TB = 1024
NB = BATCH // TB
KA = EMBED_DIM + 1
NEG = -1e30

_DN = (((0,), (0,)), ((), ()))


def _sc_gather_t(target, table_flat):
    info = plsc.get_sparse_core_info()
    nw = info.num_cores * info.num_subcores
    bpw = BATCH // nw
    npb = bpw * EMBED_DIM
    mesh = plsc.VectorSubcoreMesh(core_axis_name="c", subcore_axis_name="s")

    @functools.partial(
        pl.kernel,
        mesh=mesh,
        out_type=jax.ShapeDtypeStruct((nw, npb), jnp.float32),
        scratch_types=[
            pltpu.VMEM((bpw,), jnp.int32),
            pltpu.VMEM((npb,), jnp.int32),
            pltpu.VMEM((npb,), jnp.float32),
            pltpu.SemaphoreType.DMA,
        ],
        compiler_params=pltpu.CompilerParams(use_tc_tiling_on_sc=False),
    )
    def gather_k(idx_hbm, tab_hbm, out_hbm, idx_v, idx16_v, rows_v, sem):
        wid = lax.axis_index("s") * info.num_cores + lax.axis_index("c")
        base = wid * bpw
        pltpu.sync_copy(idx_hbm.at[pl.ds(base, bpw)], idx_v)
        for d in range(EMBED_DIM):
            for c2 in range(bpw // 16):
                v = idx_v[pl.ds(c2 * 16, 16)]
                idx16_v[pl.ds(d * bpw + c2 * 16, 16)] = v + d * SET_SIZE
        copies = [
            pltpu.async_copy(
                tab_hbm.at[idx16_v.at[pl.ds(ch * 128, 128)]],
                rows_v.at[pl.ds(ch * 128, 128)], sem)
            for ch in range(npb // 128)
        ]
        for cp in copies:
            cp.wait()
        pltpu.sync_copy(rows_v, out_hbm.at[wid])

    return gather_k(target, table_flat)


def _stats_body(w_ref, e_ref, s_ref):
    v = pl.program_id(0)

    @pl.when(v == 0)
    def _():
        s_ref[...] = jnp.zeros((1, BATCH), jnp.float32)

    t = lax.dot_general(w_ref[...], e_ref[...], _DN,
                        preferred_element_type=jnp.float32)
    s_ref[...] += jnp.sum(jnp.exp2(t), axis=0, keepdims=True)


def _out_body(w_ref, e_ref, s_ref, o_ref):
    t = lax.dot_general(w_ref[...], e_ref[...], _DN,
                        preferred_element_type=jnp.float32)
    o_ref[...] = jnp.exp2(t - jnp.log2(s_ref[...]))


def kernel(target, emb_table, W, b):
    e3 = _sc_gather_t(target.astype(jnp.int32), emb_table.T.reshape(-1))
    nw = e3.shape[0]
    e_tr = e3.reshape(nw, EMBED_DIM, BATCH // nw).transpose(1, 0, 2)
    e_t = jnp.concatenate(
        [e_tr.reshape(EMBED_DIM, BATCH),
         jnp.ones((1, BATCH), jnp.float32)], axis=0).astype(jnp.bfloat16)
    w_aug = jnp.concatenate([W, b.reshape(1, SET_SIZE)], axis=0)
    pad = jnp.concatenate(
        [jnp.zeros((EMBED_DIM, VPAD - SET_SIZE), jnp.float32),
         jnp.full((1, VPAD - SET_SIZE), NEG, jnp.float32)], axis=0)
    w_aug = (jnp.concatenate([w_aug, pad], axis=1)
             * jnp.float32(1.4426950408889634)).astype(jnp.bfloat16)

    s = pl.pallas_call(
        _stats_body,
        grid=(NVS,),
        in_specs=[
            pl.BlockSpec((KA, TVS), lambda vi: (0, vi)),
            pl.BlockSpec((KA, BATCH), lambda vi: (0, 0)),
        ],
        out_specs=pl.BlockSpec((1, BATCH), lambda vi: (0, 0)),
        out_shape=jax.ShapeDtypeStruct((1, BATCH), jnp.float32),
        compiler_params=pltpu.CompilerParams(
            dimension_semantics=("arbitrary",)),
    )(w_aug, e_t)

    out_t = pl.pallas_call(
        _out_body,
        grid=(NB, NV),
        in_specs=[
            pl.BlockSpec((KA, TV), lambda bi, vi: (0, vi)),
            pl.BlockSpec((KA, TB), lambda bi, vi: (0, bi)),
            pl.BlockSpec((1, TB), lambda bi, vi: (0, bi)),
        ],
        out_specs=pl.BlockSpec((TV, TB), lambda bi, vi: (vi, bi)),
        out_shape=jax.ShapeDtypeStruct((SET_SIZE, BATCH), jnp.float32),
        compiler_params=pltpu.CompilerParams(
            dimension_semantics=("parallel", "parallel")),
    )(w_aug, e_t, s)
    return out_t.T

# --- scband reference (transcript-rebuilt; emitter-appended) ---
"""Pipeline reference for scband-card2-vec-ffnn-27599459844781 (READ-ONLY COPY).

The authoritative reference and input builder live on the scoring server;
editing this copy changes nothing except your own understanding.
"""

import jax, jax.numpy as jnp
import numpy as np

SET_SIZE = 100000
EMBED_DIM = 16
BATCH = 1024

def setup_inputs(seed: int = 0) -> dict:
    key = jax.random.key(seed)
    k1, k2, k3, k4 = jax.random.split(key, 4)
    target = jax.random.randint(k1, (BATCH,), 0, SET_SIZE)
    emb_table = jax.random.normal(k2, (SET_SIZE, EMBED_DIM), dtype=jnp.float32)
    W = jax.random.normal(k3, (EMBED_DIM, SET_SIZE), dtype=jnp.float32) * 0.05
    b = jax.random.normal(k4, (SET_SIZE,), dtype=jnp.float32) * 0.01
    return {"target": target, "emb_table": emb_table, "W": W, "b": b}

def reference(target, emb_table, W, b):
    # nn.Embedding lookup -> gather rows
    embed_target = jnp.take(emb_table, target, axis=0)  # [B, embed_dim]
    # nn.Linear(embedding_dim, set_size)
    logits = embed_target @ W + b                        # [B, set_size]
    # nn.Softmax(dim=1)
    out = jax.nn.softmax(logits, axis=1)
    return out

if __name__ == "__main__":
    import jax
    _d = setup_inputs()
    print(jax.jit(kernel)(*tuple(_d.values())))

</pallas_src>

<mosaic_0001>
#map = affine_map<(d0, d1) -> (0)>
#map1 = affine_map<(d0, d1) -> (0, 0)>
module attributes {stable_mosaic.version = 14 : i64} {
  func.func @gather_k(%arg0: i32, %arg1: i32, %arg2: memref<1024xi32, #tpu.memory_space<hbm>>, %arg3: memref<1600000xf32, #tpu.memory_space<hbm>>, %arg4: memref<32x512xf32, #tpu.memory_space<hbm>>, %arg5: memref<32xi32, #tpu.memory_space<vmem>>, %arg6: memref<512xi32, #tpu.memory_space<vmem>>, %arg7: memref<512xf32, #tpu.memory_space<vmem>>, %arg8: memref<!tpu.dma_semaphore, #tpu.memory_space<semaphore_mem>>) attributes {dimension_semantics = [#tpu.dimension_semantics<core_parallel>, #tpu.dimension_semantics<subcore_parallel>], iteration_bounds = array<i64: 2, 16>, scalar_prefetch = 0 : i64, scratch_operands = 4 : i64, tpu.core_type = #tpu.core_type<sc_vector_subcore>, window_params = [{transform_indices = #map}, {transform_indices = #map}, {transform_indices = #map1}]} {
    %mul3A = arith.constant 2 : i32
    %mul3A_0 = arith.muli %arg1, %mul3A : i32
    %add3A = arith.addi %mul3A_0, %arg0 : i32
    %mul3A_1 = arith.constant 32 : i32
    %mul3A_2 = arith.muli %add3A, %mul3A_1 : i32
    "tpu.region"() ({
      %run_scoped3A = tpu.sem_alloc : memref<!tpu.dma_semaphore, #tpu.memory_space<semaphore_mem>>
      %dma_start3A_367 = tpu.memref_slice %arg2[%mul3A_2] : memref<1024xi32, #tpu.memory_space<hbm>> -> memref<32xi32, #tpu.memory_space<hbm>>
      %dma_start3A_368 = tpu.memref_slice %arg2[%mul3A_2] : memref<1024xi32, #tpu.memory_space<hbm>> -> memref<32xi32, #tpu.memory_space<hbm>>
      tpu.enqueue_dma source(%dma_start3A_368 : memref<32xi32, #tpu.memory_space<hbm>>) target(%arg5 : memref<32xi32, #tpu.memory_space<vmem>>) target_semaphore(%run_scoped3A : memref<!tpu.dma_semaphore, #tpu.memory_space<semaphore_mem>>)
      %dma_wait3A_369 = tpu.memref_slice %arg2[%mul3A_2] : memref<1024xi32, #tpu.memory_space<hbm>> -> memref<32xi32, #tpu.memory_space<hbm>>
      %dma_wait3A_370 = tpu.memref_slice %arg2[%mul3A_2] : memref<1024xi32, #tpu.memory_space<hbm>> -> memref<32xi32, #tpu.memory_space<hbm>>
      tpu.wait_dma2 semaphore(%run_scoped3A : memref<!tpu.dma_semaphore, #tpu.memory_space<semaphore_mem>>) src(%dma_wait3A_370 : memref<32xi32, #tpu.memory_space<hbm>>) dst(%arg5 : memref<32xi32, #tpu.memory_space<vmem>>)
      tpu.yield
    }) : () -> ()
    %get3A = arith.constant 0 : index
    %get3A_3 = tpu.vector_load %arg5[%get3A] {strides = array<i32>} : memref<32xi32, #tpu.memory_space<vmem>>, vector<16xi32>,
    %get3A_4 = vector.shape_cast %get3A_3 : vector<16xi32> to vector<16xi32>
    %add3A_5 = arith.constant 0 : i32
    %add3A_6 = vector.broadcast %add3A_5 : i32 to vector<16xi32>
    %add3A_7 = arith.addi %get3A_4, %add3A_6 : vector<16xi32>
    %swap3A = arith.constant 0 : index
    %swap3A_8 = tpu.vector_load %arg6[%swap3A] {strides = array<i32>} : memref<512xi32, #tpu.memory_space<vmem>>, vector<16xi32>,
    %swap3A_9 = vector.shape_cast %swap3A_8 : vector<16xi32> to vector<16xi32>
    %swap3A_10 = vector.shape_cast %add3A_7 : vector<16xi32> to vector<16xi32>
    tpu.vector_store %arg6[%swap3A], %swap3A_10 {strides = array<i32>} : memref<512xi32, #tpu.memory_space<vmem>>, vector<16xi32>,
    %get3A_11 = arith.constant 16 : index
    %get3A_12 = tpu.vector_load %arg5[%get3A_11] {strides = array<i32>} : memref<32xi32, #tpu.memory_space<vmem>>, vector<16xi32>,
    %get3A_13 = vector.shape_cast %get3A_12 : vector<16xi32> to vector<16xi32>
    %add3A_14 = arith.constant 0 : i32
    %add3A_15 = vector.broadcast %add3A_14 : i32 to vector<16xi32>
    %add3A_16 = arith.addi %get3A_13, %add3A_15 : vector<16xi32>
    %swap3A_17 = arith.constant 16 : index
    %swap3A_18 = tpu.vector_load %arg6[%swap3A_17] {strides = array<i32>} : memref<512xi32, #tpu.memory_space<vmem>>, vector<16xi32>,
    %swap3A_19 = vector.shape_cast %swap3A_18 : vector<16xi32> to vector<16xi32>
    %swap3A_20 = vector.shape_cast %add3A_16 : vector<16xi32> to vector<16xi32>
    tpu.vector_store %arg6[%swap3A_17], %swap3A_20 {strides = array<i32>} : memref<512xi32, #tpu.memory_space<vmem>>, vector<16xi32>,
    %get3A_21 = arith.constant 0 : index
    %get3A_22 = tpu.vector_load %arg5[%get3A_21] {strides = array<i32>} : memref<32xi32, #tpu.memory_space<vmem>>, vector<16xi32>,
    %get3A_23 = vector.shape_cast %get3A_22 : vector<16xi32> to vector<16xi32>
    %add3A_24 = arith.constant 100000 : i32
    %add3A_25 = vector.broadcast %add3A_24 : i32 to vector<16xi32>
    %add3A_26 = arith.addi %get3A_23, %add3A_25 : vector<16xi32>
    %swap3A_27 = arith.constant 32 : index
    %swap3A_28 = tpu.vector_load %arg6[%swap3A_27] {strides = array<i32>} : memref<512xi32, #tpu.memory_space<vmem>>, vector<16xi32>,
    %swap3A_29 = vector.shape_cast %swap3A_28 : vector<16xi32> to vector<16xi32>
    %swap3A_30 = vector.shape_cast %add3A_26 : vector<16xi32> to vector<16xi32>
    tpu.vector_store %arg6[%swap3A_27], %swap3A_30 {strides = array<i32>} : memref<512xi32, #tpu.memory_space<vmem>>, vector<16xi32>,
    %get3A_31 = arith.constant 16 : index
    %get3A_32 = tpu.vector_load %arg5[%get3A_31] {strides = array<i32>} : memref<32xi32, #tpu.memory_space<vmem>>, vector<16xi32>,
    %get3A_33 = vector.shape_cast %get3A_32 : vector<16xi32> to vector<16xi32>
    %add3A_34 = arith.constant 100000 : i32
    %add3A_35 = vector.broadcast %add3A_34 : i32 to vector<16xi32>
    %add3A_36 = arith.addi %get3A_33, %add3A_35 : vector<16xi32>
    %swap3A_37 = arith.constant 48 : index
    %swap3A_38 = tpu.vector_load %arg6[%swap3A_37] {strides = array<i32>} : memref<512xi32, #tpu.memory_space<vmem>>, vector<16xi32>,
    %swap3A_39 = vector.shape_cast %swap3A_38 : vector<16xi32> to vector<16xi32>
    %swap3A_40 = vector.shape_cast %add3A_36 : vector<16xi32> to vector<16xi32>
    tpu.vector_store %arg6[%swap3A_37], %swap3A_40 {strides = array<i32>} : memref<512xi32, #tpu.memory_space<vmem>>, vector<16xi32>,
    %get3A_41 = arith.constant 0 : index
    %get3A_42 = tpu.vector_load %arg5[%get3A_41] {strides = array<i32>} : memref<32xi32, #tpu.memory_space<vmem>>, vector<16xi32>,
    %get3A_43 = vector.shape_cast %get3A_42 : vector<16xi32> to vector<16xi32>
    %add3A_44 = arith.constant 200000 : i32
    %add3A_45 = vector.broadcast %add3A_44 : i32 to vector<16xi32>
    %add3A_46 = arith.addi %get3A_43, %add3A_45 : vector<16xi32>
    %swap3A_47 = arith.constant 64 : index
    %swap3A_48 = tpu.vector_load %arg6[%swap3A_47] {strides = array<i32>} : memref<512xi32, #tpu.memory_space<vmem>>, vector<16xi32>,
    %swap3A_49 = vector.shape_cast %swap3A_48 : vector<16xi32> to vector<16xi32>
    %swap3A_50 = vector.shape_cast %add3A_46 : vector<16xi32> to vector<16xi32>
    tpu.vector_store %arg6[%swap3A_47], %swap3A_50 {strides = array<i32>} : memref<512xi32, #tpu.memory_space<vmem>>, vector<16xi32>,
    %get3A_51 = arith.constant 16 : index
    %get3A_52 = tpu.vector_load %arg5[%get3A_51] {strides = array<i32>} : memref<32xi32, #tpu.memory_space<vmem>>, vector<16xi32>,
    %get3A_53 = vector.shape_cast %get3A_52 : vector<16xi32> to vector<16xi32>
    %add3A_54 = arith.constant 200000 : i32
    %add3A_55 = vector.broadcast %add3A_54 : i32 to vector<16xi32>
    %add3A_56 = arith.addi %get3A_53, %add3A_55 : vector<16xi32>
    %swap3A_57 = arith.constant 80 : index
    %swap3A_58 = tpu.vector_load %arg6[%swap3A_57] {strides = array<i32>} : memref<512xi32, #tpu.memory_space<vmem>>, vector<16xi32>,
    %swap3A_59 = vector.shape_cast %swap3A_58 : vector<16xi32> to vector<16xi32>
    %swap3A_60 = vector.shape_cast %add3A_56 : vector<16xi32> to vector<16xi32>
    tpu.vector_store %arg6[%swap3A_57], %swap3A_60 {strides = array<i32>} : memref<512xi32, #tpu.memory_space<vmem>>, vector<16xi32>,
    %get3A_61 = arith.constant 0 : index
    %get3A_62 = tpu.vector_load %arg5[%get3A_61] {strides = array<i32>} : memref<32xi32, #tpu.memory_space<vmem>>, vector<16xi32>,
    %get3A_63 = vector.shape_cast %get3A_62 : vector<16xi32> to vector<16xi32>
    %add3A_64 = arith.constant 300000 : i32
    %add3A_65 = vector.broadcast %add3A_64 : i32 to vector<16xi32>
    %add3A_66 = arith.addi %get3A_63, %add3A_65 : vector<16xi32>
    %swap3A_67 = arith.constant 96 : index
    %swap3A_68 = tpu.vector_load %arg6[%swap3A_67] {strides = array<i32>} : memref<512xi32, #tpu.memory_space<vmem>>, vector<16xi32>,
    %swap3A_69 = vector.shape_cast %swap3A_68 : vector<16xi32> to vector<16xi32>
    %swap3A_70 = vector.shape_cast %add3A_66 : vector<16xi32> to vector<16xi32>
    tpu.vector_store %arg6[%swap3A_67], %swap3A_70 {strides = array<i32>} : memref<512xi32, #tpu.memory_space<vmem>>, vector<16xi32>,
    %get3A_71 = arith.constant 16 : index
    %get3A_72 = tpu.vector_load %arg5[%get3A_71] {strides = array<i32>} : memref<32xi32, #tpu.memory_space<vmem>>, vector<16xi32>,
    %get3A_73 = vector.shape_cast %get3A_72 : vector<16xi32> to vector<16xi32>
    %add3A_74 = arith.constant 300000 : i32
    %add3A_75 = vector.broadcast %add3A_74 : i32 to vector<16xi32>
    %add3A_76 = arith.addi %get3A_73, %add3A_75 : vector<16xi32>
    %swap3A_77 = arith.constant 112 : index
    %swap3A_78 = tpu.vector_load %arg6[%swap3A_77] {strides = array<i32>} : memref<512xi32, #tpu.memory_space<vmem>>, vector<16xi32>,
    %swap3A_79 = vector.shape_cast %swap3A_78 : vector<16xi32> to vector<16xi32>
    %swap3A_80 = vector.shape_cast %add3A_76 : vector<16xi32> to vector<16xi32>
    tpu.vector_store %arg6[%swap3A_77], %swap3A_80 {strides = array<i32>} : memref<512xi32, #tpu.memory_space<vmem>>, vector<16xi32>,
    %get3A_81 = arith.constant 0 : index
    %get3A_82 = tpu.vector_load %arg5[%get3A_81] {strides = array<i32>} : memref<32xi32, #tpu.memory_space<vmem>>, vector<16xi32>,
    %get3A_83 = vector.shape_cast %get3A_82 : vector<16xi32> to vector<16xi32>
    %add3A_84 = arith.constant 400000 : i32
    %add3A_85 = vector.broadcast %add3A_84 : i32 to vector<16xi32>
    %add3A_86 = arith.addi %get3A_83, %add3A_85 : vector<16xi32>
    %swap3A_87 = arith.constant 128 : index
    %swap3A_88 = tpu.vector_load %arg6[%swap3A_87] {strides = array<i32>} : memref<512xi32, #tpu.memory_space<vmem>>, vector<16xi32>,
    %swap3A_89 = vector.shape_cast %swap3A_88 : vector<16xi32> to vector<16xi32>
    %swap3A_90 = vector.shape_cast %add3A_86 : vector<16xi32> to vector<16xi32>
    tpu.vector_store %arg6[%swap3A_87], %swap3A_90 {strides = array<i32>} : memref<512xi32, #tpu.memory_space<vmem>>, vector<16xi32>,
    %get3A_91 = arith.constant 16 : index
    %get3A_92 = tpu.vector_load %arg5[%get3A_91] {strides = array<i32>} : memref<32xi32, #tpu.memory_space<vmem>>, vector<16xi32>,
    %get3A_93 = vector.shape_cast %get3A_92 : vector<16xi32> to vector<16xi32>
    %add3A_94 = arith.constant 400000 : i32
    %add3A_95 = vector.broadcast %add3A_94 : i32 to vector<16xi32>
    %add3A_96 = arith.addi %get3A_93, %add3A_95 : vector<16xi32>
    %swap3A_97 = arith.constant 144 : index
    %swap3A_98 = tpu.vector_load %arg6[%swap3A_97] {strides = array<i32>} : memref<512xi32, #tpu.memory_space<vmem>>, vector<16xi32>,
    %swap3A_99 = vector.shape_cast %swap3A_98 : vector<16xi32> to vector<16xi32>
    %swap3A_100 = vector.shape_cast %add3A_96 : vector<16xi32> to vector<16xi32>
    tpu.vector_store %arg6[%swap3A_97], %swap3A_100 {strides = array<i32>} : memref<512xi32, #tpu.memory_space<vmem>>, vector<16xi32>,
    %get3A_101 = arith.constant 0 : index
    %get3A_102 = tpu.vector_load %arg5[%get3A_101] {strides = array<i32>} : memref<32xi32, #tpu.memory_space<vmem>>, vector<16xi32>,
    %get3A_103 = vector.shape_cast %get3A_102 : vector<16xi32> to vector<16xi32>
    %add3A_104 = arith.constant 500000 : i32
    %add3A_105 = vector.broadcast %add3A_104 : i32 to vector<16xi32>
    %add3A_106 = arith.addi %get3A_103, %add3A_105 : vector<16xi32>
    %swap3A_107 = arith.constant 160 : index
    %swap3A_108 = tpu.vector_load %arg6[%swap3A_107] {strides = array<i32>} : memref<512xi32, #tpu.memory_space<vmem>>, vector<16xi32>,
    %swap3A_109 = vector.shape_cast %swap3A_108 : vector<16xi32> to vector<16xi32>
    %swap3A_110 = vector.shape_cast %add3A_106 : vector<16xi32> to vector<16xi32>
    tpu.vector_store %arg6[%swap3A_107], %swap3A_110 {strides = array<i32>} : memref<512xi32, #tpu.memory_space<vmem>>, vector<16xi32>,
    %get3A_111 = arith.constant 16 : index
    %get3A_112 = tpu.vector_load %arg5[%get3A_111] {strides = array<i32>} : memref<32xi32, #tpu.memory_space<vmem>>, vector<16xi32>,
    %get3A_113 = vector.shape_cast %get3A_112 : vector<16xi32> to vector<16xi32>
    %add3A_114 = arith.constant 500000 : i32
    %add3A_115 = vector.broadcast %add3A_114 : i32 to vector<16xi32>
    %add3A_116 = arith.addi %get3A_113, %add3A_115 : vector<16xi32>
    %swap3A_117 = arith.constant 176 : index
    %swap3A_118 = tpu.vector_load %arg6[%swap3A_117] {strides = array<i32>} : memref<512xi32, #tpu.memory_space<vmem>>, vector<16xi32>,
    %swap3A_119 = vector.shape_cast %swap3A_118 : vector<16xi32> to vector<16xi32>
    %swap3A_120 = vector.shape_cast %add3A_116 : vector<16xi32> to vector<16xi32>
    tpu.vector_store %arg6[%swap3A_117], %swap3A_120 {strides = array<i32>} : memref<512xi32, #tpu.memory_space<vmem>>, vector<16xi32>,
    %get3A_121 = arith.constant 0 : index
    %get3A_122 = tpu.vector_load %arg5[%get3A_121] {strides = array<i32>} : memref<32xi32, #tpu.memory_space<vmem>>, vector<16xi32>,
    %get3A_123 = vector.shape_cast %get3A_122 : vector<16xi32> to vector<16xi32>
    %add3A_124 = arith.constant 600000 : i32
    %add3A_125 = vector.broadcast %add3A_124 : i32 to vector<16xi32>
    %add3A_126 = arith.addi %get3A_123, %add3A_125 : vector<16xi32>
    %swap3A_127 = arith.constant 192 : index
    %swap3A_128 = tpu.vector_load %arg6[%swap3A_127] {strides = array<i32>} : memref<512xi32, #tpu.memory_space<vmem>>, vector<16xi32>,
    %swap3A_129 = vector.shape_cast %swap3A_128 : vector<16xi32> to vector<16xi32>
    %swap3A_130 = vector.shape_cast %add3A_126 : vector<16xi32> to vector<16xi32>
    tpu.vector_store %arg6[%swap3A_127], %swap3A_130 {strides = array<i32>} : memref<512xi32, #tpu.memory_space<vmem>>, vector<16xi32>,
    %get3A_131 = arith.constant 16 : index
    %get3A_132 = tpu.vector_load %arg5[%get3A_131] {strides = array<i32>} : memref<32xi32, #tpu.memory_space<vmem>>, vector<16xi32>,
    %get3A_133 = vector.shape_cast %get3A_132 : vector<16xi32> to vector<16xi32>
    %add3A_134 = arith.constant 600000 : i32
    %add3A_135 = vector.broadcast %add3A_134 : i32 to vector<16xi32>
    %add3A_136 = arith.addi %get3A_133, %add3A_135 : vector<16xi32>
    %swap3A_137 = arith.constant 208 : index
    %swap3A_138 = tpu.vector_load %arg6[%swap3A_137] {strides = array<i32>} : memref<512xi32, #tpu.memory_space<vmem>>, vector<16xi32>,
    %swap3A_139 = vector.shape_cast %swap3A_138 : vector<16xi32> to vector<16xi32>
    %swap3A_140 = vector.shape_cast %add3A_136 : vector<16xi32> to vector<16xi32>
    tpu.vector_store %arg6[%swap3A_137], %swap3A_140 {strides = array<i32>} : memref<512xi32, #tpu.memory_space<vmem>>, vector<16xi32>,
    %get3A_141 = arith.constant 0 : index
    %get3A_142 = tpu.vector_load %arg5[%get3A_141] {strides = array<i32>} : memref<32xi32, #tpu.memory_space<vmem>>, vector<16xi32>,
    %get3A_143 = vector.shape_cast %get3A_142 : vector<16xi32> to vector<16xi32>
    %add3A_144 = arith.constant 700000 : i32
    %add3A_145 = vector.broadcast %add3A_144 : i32 to vector<16xi32>
    %add3A_146 = arith.addi %get3A_143, %add3A_145 : vector<16xi32>
    %swap3A_147 = arith.constant 224 : index
    %swap3A_148 = tpu.vector_load %arg6[%swap3A_147] {strides = array<i32>} : memref<512xi32, #tpu.memory_space<vmem>>, vector<16xi32>,
    %swap3A_149 = vector.shape_cast %swap3A_148 : vector<16xi32> to vector<16xi32>
    %swap3A_150 = vector.shape_cast %add3A_146 : vector<16xi32> to vector<16xi32>
    tpu.vector_store %arg6[%swap3A_147], %swap3A_150 {strides = array<i32>} : memref<512xi32, #tpu.memory_space<vmem>>, vector<16xi32>,
    %get3A_151 = arith.constant 16 : index
    %get3A_152 = tpu.vector_load %arg5[%get3A_151] {strides = array<i32>} : memref<32xi32, #tpu.memory_space<vmem>>, vector<16xi32>,
    %get3A_153 = vector.shape_cast %get3A_152 : vector<16xi32> to vector<16xi32>
    %add3A_154 = arith.constant 700000 : i32
    %add3A_155 = vector.broadcast %add3A_154 : i32 to vector<16xi32>
    %add3A_156 = arith.addi %get3A_153, %add3A_155 : vector<16xi32>
    %swap3A_157 = arith.constant 240 : index
    %swap3A_158 = tpu.vector_load %arg6[%swap3A_157] {strides = array<i32>} : memref<512xi32, #tpu.memory_space<vmem>>, vector<16xi32>,
    %swap3A_159 = vector.shape_cast %swap3A_158 : vector<16xi32> to vector<16xi32>
    %swap3A_160 = vector.shape_cast %add3A_156 : vector<16xi32> to vector<16xi32>
    tpu.vector_store %arg6[%swap3A_157], %swap3A_160 {strides = array<i32>} : memref<512xi32, #tpu.memory_space<vmem>>, vector<16xi32>,
    %get3A_161 = arith.constant 0 : index
    %get3A_162 = tpu.vector_load %arg5[%get3A_161] {strides = array<i32>} : memref<32xi32, #tpu.memory_space<vmem>>, vector<16xi32>,
    %get3A_163 = vector.shape_cast %get3A_162 : vector<16xi32> to vector<16xi32>
    %add3A_164 = arith.constant 800000 : i32
    %add3A_165 = vector.broadcast %add3A_164 : i32 to vector<16xi32>
    %add3A_166 = arith.addi %get3A_163, %add3A_165 : vector<16xi32>
    %swap3A_167 = arith.constant 256 : index
    %swap3A_168 = tpu.vector_load %arg6[%swap3A_167] {strides = array<i32>} : memref<512xi32, #tpu.memory_space<vmem>>, vector<16xi32>,
    %swap3A_169 = vector.shape_cast %swap3A_168 : vector<16xi32> to vector<16xi32>
    %swap3A_170 = vector.shape_cast %add3A_166 : vector<16xi32> to vector<16xi32>
    tpu.vector_store %arg6[%swap3A_167], %swap3A_170 {strides = array<i32>} : memref<512xi32, #tpu.memory_space<vmem>>, vector<16xi32>,
    %get3A_171 = arith.constant 16 : index
    %get3A_172 = tpu.vector_load %arg5[%get3A_171] {strides = array<i32>} : memref<32xi32, #tpu.memory_space<vmem>>, vector<16xi32>,
    %get3A_173 = vector.shape_cast %get3A_172 : vector<16xi32> to vector<16xi32>
    %add3A_174 = arith.constant 800000 : i32
    %add3A_175 = vector.broadcast %add3A_174 : i32 to vector<16xi32>
    %add3A_176 = arith.addi %get3A_173, %add3A_175 : vector<16xi32>
    %swap3A_177 = arith.constant 272 : index
    %swap3A_178 = tpu.vector_load %arg6[%swap3A_177] {strides = array<i32>} : memref<512xi32, #tpu.memory_space<vmem>>, vector<16xi32>,
    %swap3A_179 = vector.shape_cast %swap3A_178 : vector<16xi32> to vector<16xi32>
    %swap3A_180 = vector.shape_cast %add3A_176 : vector<16xi32> to vector<16xi32>
    tpu.vector_store %arg6[%swap3A_177], %swap3A_180 {strides = array<i32>} : memref<512xi32, #tpu.memory_space<vmem>>, vector<16xi32>,
    %get3A_181 = arith.constant 0 : index
    %get3A_182 = tpu.vector_load %arg5[%get3A_181] {strides = array<i32>} : memref<32xi32, #tpu.memory_space<vmem>>, vector<16xi32>,
    %get3A_183 = vector.shape_cast %get3A_182 : vector<16xi32> to vector<16xi32>
    %add3A_184 = arith.constant 900000 : i32
    %add3A_185 = vector.broadcast %add3A_184 : i32 to vector<16xi32>
    %add3A_186 = arith.addi %get3A_183, %add3A_185 : vector<16xi32>
    %swap3A_187 = arith.constant 288 : index
    %swap3A_188 = tpu.vector_load %arg6[%swap3A_187] {strides = array<i32>} : memref<512xi32, #tpu.memory_space<vmem>>, vector<16xi32>,
    %swap3A_189 = vector.shape_cast %swap3A_188 : vector<16xi32> to vector<16xi32>
    %swap3A_190 = vector.shape_cast %add3A_186 : vector<16xi32> to vector<16xi32>
    tpu.vector_store %arg6[%swap3A_187], %swap3A_190 {strides = array<i32>} : memref<512xi32, #tpu.memory_space<vmem>>, vector<16xi32>,
    %get3A_191 = arith.constant 16 : index
    %get3A_192 = tpu.vector_load %arg5[%get3A_191] {strides = array<i32>} : memref<32xi32, #tpu.memory_space<vmem>>, vector<16xi32>,
    %get3A_193 = vector.shape_cast %get3A_192 : vector<16xi32> to vector<16xi32>
    %add3A_194 = arith.constant 900000 : i32
    %add3A_195 = vector.broadcast %add3A_194 : i32 to vector<16xi32>
    %add3A_196 = arith.addi %get3A_193, %add3A_195 : vector<16xi32>
    %swap3A_197 = arith.constant 304 : index
    %swap3A_198 = tpu.vector_load %arg6[%swap3A_197] {strides = array<i32>} : memref<512xi32, #tpu.memory_space<vmem>>, vector<16xi32>,
    %swap3A_199 = vector.shape_cast %swap3A_198 : vector<16xi32> to vector<16xi32>
    %swap3A_200 = vector.shape_cast %add3A_196 : vector<16xi32> to vector<16xi32>
    tpu.vector_store %arg6[%swap3A_197], %swap3A_200 {strides = array<i32>} : memref<512xi32, #tpu.memory_space<vmem>>, vector<16xi32>,
    %get3A_201 = arith.constant 0 : index
    %get3A_202 = tpu.vector_load %arg5[%get3A_201] {strides = array<i32>} : memref<32xi32, #tpu.memory_space<vmem>>, vector<16xi32>,
    %get3A_203 = vector.shape_cast %get3A_202 : vector<16xi32> to vector<16xi32>
    %add3A_204 = arith.constant 1000000 : i32
    %add3A_205 = vector.broadcast %add3A_204 : i32 to vector<16xi32>
    %add3A_206 = arith.addi %get3A_203, %add3A_205 : vector<16xi32>
    %swap3A_207 = arith.constant 320 : index
    %swap3A_208 = tpu.vector_load %arg6[%swap3A_207] {strides = array<i32>} : memref<512xi32, #tpu.memory_space<vmem>>, vector<16xi32>,
    %swap3A_209 = vector.shape_cast %swap3A_208 : vector<16xi32> to vector<16xi32>
    %swap3A_210 = vector.shape_cast %add3A_206 : vector<16xi32> to vector<16xi32>
    tpu.vector_store %arg6[%swap3A_207], %swap3A_210 {strides = array<i32>} : memref<512xi32, #tpu.memory_space<vmem>>, vector<16xi32>,
    %get3A_211 = arith.constant 16 : index
    %get3A_212 = tpu.vector_load %arg5[%get3A_211] {strides = array<i32>} : memref<32xi32, #tpu.memory_space<vmem>>, vector<16xi32>,
    %get3A_213 = vector.shape_cast %get3A_212 : vector<16xi32> to vector<16xi32>
    %add3A_214 = arith.constant 1000000 : i32
    %add3A_215 = vector.broadcast %add3A_214 : i32 to vector<16xi32>
    %add3A_216 = arith.addi %get3A_213, %add3A_215 : vector<16xi32>
    %swap3A_217 = arith.constant 336 : index
    %swap3A_218 = tpu.vector_load %arg6[%swap3A_217] {strides = array<i32>} : memref<512xi32, #tpu.memory_space<vmem>>, vector<16xi32>,
    %swap3A_219 = vector.shape_cast %swap3A_218 : vector<16xi32> to vector<16xi32>
    %swap3A_220 = vector.shape_cast %add3A_216 : vector<16xi32> to vector<16xi32>
    tpu.vector_store %arg6[%swap3A_217], %swap3A_220 {strides = array<i32>} : memref<512xi32, #tpu.memory_space<vmem>>, vector<16xi32>,
    %get3A_221 = arith.constant 0 : index
    %get3A_222 = tpu.vector_load %arg5[%get3A_221] {strides = array<i32>} : memref<32xi32, #tpu.memory_space<vmem>>, vector<16xi32>,
    %get3A_223 = vector.shape_cast %get3A_222 : vector<16xi32> to vector<16xi32>
    %add3A_224 = arith.constant 1100000 : i32
    %add3A_225 = vector.broadcast %add3A_224 : i32 to vector<16xi32>
    %add3A_226 = arith.addi %get3A_223, %add3A_225 : vector<16xi32>
    %swap3A_227 = arith.constant 352 : index
    %swap3A_228 = tpu.vector_load %arg6[%swap3A_227] {strides = array<i32>} : memref<512xi32, #tpu.memory_space<vmem>>, vector<16xi32>,
    %swap3A_229 = vector.shape_cast %swap3A_228 : vector<16xi32> to vector<16xi32>
    %swap3A_230 = vector.shape_cast %add3A_226 : vector<16xi32> to vector<16xi32>
    tpu.vector_store %arg6[%swap3A_227], %swap3A_230 {strides = array<i32>} : memref<512xi32, #tpu.memory_space<vmem>>, vector<16xi32>,
    %get3A_231 = arith.constant 16 : index
    %get3A_232 = tpu.vector_load %arg5[%get3A_231] {strides = array<i32>} : memref<32xi32, #tpu.memory_space<vmem>>, vector<16xi32>,
    %get3A_233 = vector.shape_cast %get3A_232 : vector<16xi32> to vector<16xi32>
    %add3A_234 = arith.constant 1100000 : i32
    %add3A_235 = vector.broadcast %add3A_234 : i32 to vector<16xi32>
    %add3A_236 = arith.addi %get3A_233, %add3A_235 : vector<16xi32>
    %swap3A_237 = arith.constant 368 : index
    %swap3A_238 = tpu.vector_load %arg6[%swap3A_237] {strides = array<i32>} : memref<512xi32, #tpu.memory_space<vmem>>, vector<16xi32>,
    %swap3A_239 = vector.shape_cast %swap3A_238 : vector<16xi32> to vector<16xi32>
    %swap3A_240 = vector.shape_cast %add3A_236 : vector<16xi32> to vector<16xi32>
    tpu.vector_store %arg6[%swap3A_237], %swap3A_240 {strides = array<i32>} : memref<512xi32, #tpu.memory_space<vmem>>, vector<16xi32>,
    %get3A_241 = arith.constant 0 : index
    %get3A_242 = tpu.vector_load %arg5[%get3A_241] {strides = array<i32>} : memref<32xi32, #tpu.memory_space<vmem>>, vector<16xi32>,
    %get3A_243 = vector.shape_cast %get3A_242 : vector<16xi32> to vector<16xi32>
    %add3A_244 = arith.constant 1200000 : i32
    %add3A_245 = vector.broadcast %add3A_244 : i32 to vector<16xi32>
    %add3A_246 = arith.addi %get3A_243, %add3A_245 : vector<16xi32>
    %swap3A_247 = arith.constant 384 : index
    %swap3A_248 = tpu.vector_load %arg6[%swap3A_247] {strides = array<i32>} : memref<512xi32, #tpu.memory_space<vmem>>, vector<16xi32>,
    %swap3A_249 = vector.shape_cast %swap3A_248 : vector<16xi32> to vector<16xi32>
    %swap3A_250 = vector.shape_cast %add3A_246 : vector<16xi32> to vector<16xi32>
    tpu.vector_store %arg6[%swap3A_247], %swap3A_250 {strides = array<i32>} : memref<512xi32, #tpu.memory_space<vmem>>, vector<16xi32>,
    %get3A_251 = arith.constant 16 : index
    %get3A_252 = tpu.vector_load %arg5[%get3A_251] {strides = array<i32>} : memref<32xi32, #tpu.memory_space<vmem>>, vector<16xi32>,
    %get3A_253 = vector.shape_cast %get3A_252 : vector<16xi32> to vector<16xi32>
    %add3A_254 = arith.constant 1200000 : i32
    %add3A_255 = vector.broadcast %add3A_254 : i32 to vector<16xi32>
    %add3A_256 = arith.addi %get3A_253, %add3A_255 : vector<16xi32>
    %swap3A_257 = arith.constant 400 : index
    %swap3A_258 = tpu.vector_load %arg6[%swap3A_257] {strides = array<i32>} : memref<512xi32, #tpu.memory_space<vmem>>, vector<16xi32>,
    %swap3A_259 = vector.shape_cast %swap3A_258 : vector<16xi32> to vector<16xi32>
    %swap3A_260 = vector.shape_cast %add3A_256 : vector<16xi32> to vector<16xi32>
    tpu.vector_store %arg6[%swap3A_257], %swap3A_260 {strides = array<i32>} : memref<512xi32, #tpu.memory_space<vmem>>, vector<16xi32>,
    %get3A_261 = arith.constant 0 : index
    %get3A_262 = tpu.vector_load %arg5[%get3A_261] {strides = array<i32>} : memref<32xi32, #tpu.memory_space<vmem>>, vector<16xi32>,
    %get3A_263 = vector.shape_cast %get3A_262 : vector<16xi32> to vector<16xi32>
    %add3A_264 = arith.constant 1300000 : i32
    %add3A_265 = vector.broadcast %add3A_264 : i32 to vector<16xi32>
    %add3A_266 = arith.addi %get3A_263, %add3A_265 : vector<16xi32>
    %swap3A_267 = arith.constant 416 : index
    %swap3A_268 = tpu.vector_load %arg6[%swap3A_267] {strides = array<i32>} : memref<512xi32, #tpu.memory_space<vmem>>, vector<16xi32>,
    %swap3A_269 = vector.shape_cast %swap3A_268 : vector<16xi32> to vector<16xi32>
    %swap3A_270 = vector.shape_cast %add3A_266 : vector<16xi32> to vector<16xi32>
    tpu.vector_store %arg6[%swap3A_267], %swap3A_270 {strides = array<i32>} : memref<512xi32, #tpu.memory_space<vmem>>, vector<16xi32>,
    %get3A_271 = arith.constant 16 : index
    %get3A_272 = tpu.vector_load %arg5[%get3A_271] {strides = array<i32>} : memref<32xi32, #tpu.memory_space<vmem>>, vector<16xi32>,
    %get3A_273 = vector.shape_cast %get3A_272 : vector<16xi32> to vector<16xi32>
    %add3A_274 = arith.constant 1300000 : i32
    %add3A_275 = vector.broadcast %add3A_274 : i32 to vector<16xi32>
    %add3A_276 = arith.addi %get3A_273, %add3A_275 : vector<16xi32>
    %swap3A_277 = arith.constant 432 : index
    %swap3A_278 = tpu.vector_load %arg6[%swap3A_277] {strides = array<i32>} : memref<512xi32, #tpu.memory_space<vmem>>, vector<16xi32>,
    %swap3A_279 = vector.shape_cast %swap3A_278 : vector<16xi32> to vector<16xi32>
    %swap3A_280 = vector.shape_cast %add3A_276 : vector<16xi32> to vector<16xi32>
    tpu.vector_store %arg6[%swap3A_277], %swap3A_280 {strides = array<i32>} : memref<512xi32, #tpu.memory_space<vmem>>, vector<16xi32>,
    %get3A_281 = arith.constant 0 : index
    %get3A_282 = tpu.vector_load %arg5[%get3A_281] {strides = array<i32>} : memref<32xi32, #tpu.memory_space<vmem>>, vector<16xi32>,
    %get3A_283 = vector.shape_cast %get3A_282 : vector<16xi32> to vector<16xi32>
    %add3A_284 = arith.constant 1400000 : i32
    %add3A_285 = vector.broadcast %add3A_284 : i32 to vector<16xi32>
    %add3A_286 = arith.addi %get3A_283, %add3A_285 : vector<16xi32>
    %swap3A_287 = arith.constant 448 : index
    %swap3A_288 = tpu.vector_load %arg6[%swap3A_287] {strides = array<i32>} : memref<512xi32, #tpu.memory_space<vmem>>, vector<16xi32>,
    %swap3A_289 = vector.shape_cast %swap3A_288 : vector<16xi32> to vector<16xi32>
    %swap3A_290 = vector.shape_cast %add3A_286 : vector<16xi32> to vector<16xi32>
    tpu.vector_store %arg6[%swap3A_287], %swap3A_290 {strides = array<i32>} : memref<512xi32, #tpu.memory_space<vmem>>, vector<16xi32>,
    %get3A_291 = arith.constant 16 : index
    %get3A_292 = tpu.vector_load %arg5[%get3A_291] {strides = array<i32>} : memref<32xi32, #tpu.memory_space<vmem>>, vector<16xi32>,
    %get3A_293 = vector.shape_cast %get3A_292 : vector<16xi32> to vector<16xi32>
    %add3A_294 = arith.constant 1400000 : i32
    %add3A_295 = vector.broadcast %add3A_294 : i32 to vector<16xi32>
    %add3A_296 = arith.addi %get3A_293, %add3A_295 : vector<16xi32>
    %swap3A_297 = arith.constant 464 : index
    %swap3A_298 = tpu.vector_load %arg6[%swap3A_297] {strides = array<i32>} : memref<512xi32, #tpu.memory_space<vmem>>, vector<16xi32>,
    %swap3A_299 = vector.shape_cast %swap3A_298 : vector<16xi32> to vector<16xi32>
    %swap3A_300 = vector.shape_cast %add3A_296 : vector<16xi32> to vector<16xi32>
    tpu.vector_store %arg6[%swap3A_297], %swap3A_300 {strides = array<i32>} : memref<512xi32, #tpu.memory_space<vmem>>, vector<16xi32>,
    %get3A_301 = arith.constant 0 : index
    %get3A_302 = tpu.vector_load %arg5[%get3A_301] {strides = array<i32>} : memref<32xi32, #tpu.memory_space<vmem>>, vector<16xi32>,
    %get3A_303 = vector.shape_cast %get3A_302 : vector<16xi32> to vector<16xi32>
    %add3A_304 = arith.constant 1500000 : i32
    %add3A_305 = vector.broadcast %add3A_304 : i32 to vector<16xi32>
    %add3A_306 = arith.addi %get3A_303, %add3A_305 : vector<16xi32>
    %swap3A_307 = arith.constant 480 : index
    %swap3A_308 = tpu.vector_load %arg6[%swap3A_307] {strides = array<i32>} : memref<512xi32, #tpu.memory_space<vmem>>, vector<16xi32>,
    %swap3A_309 = vector.shape_cast %swap3A_308 : vector<16xi32> to vector<16xi32>
    %swap3A_310 = vector.shape_cast %add3A_306 : vector<16xi32> to vector<16xi32>
    tpu.vector_store %arg6[%swap3A_307], %swap3A_310 {strides = array<i32>} : memref<512xi32, #tpu.memory_space<vmem>>, vector<16xi32>,
    %get3A_311 = arith.constant 16 : index
    %get3A_312 = tpu.vector_load %arg5[%get3A_311] {strides = array<i32>} : memref<32xi32, #tpu.memory_space<vmem>>, vector<16xi32>,
    %get3A_313 = vector.shape_cast %get3A_312 : vector<16xi32> to vector<16xi32>
    %add3A_314 = arith.constant 1500000 : i32
    %add3A_315 = vector.broadcast %add3A_314 : i32 to vector<16xi32>
    %add3A_316 = arith.addi %get3A_313, %add3A_315 : vector<16xi32>
    %swap3A_317 = arith.constant 496 : index
    %swap3A_318 = tpu.vector_load %arg6[%swap3A_317] {strides = array<i32>} : memref<512xi32, #tpu.memory_space<vmem>>, vector<16xi32>,
    %swap3A_319 = vector.shape_cast %swap3A_318 : vector<16xi32> to vector<16xi32>
    %swap3A_320 = vector.shape_cast %add3A_316 : vector<16xi32> to vector<16xi32>
    tpu.vector_store %arg6[%swap3A_317], %swap3A_320 {strides = array<i32>} : memref<512xi32, #tpu.memory_space<vmem>>, vector<16xi32>,
    %dma_start3A = arith.constant 0 : i32
    %dma_start3A_321 = tpu.memref_slice %arg7[%dma_start3A] : memref<512xf32, #tpu.memory_space<vmem>> -> memref<128xf32, #tpu.memory_space<vmem>>
    %dma_start3A_322 = arith.constant 0 : i32
    %dma_start3A_323 = tpu.memref_slice %arg6[%dma_start3A_322] : memref<512xi32, #tpu.memory_space<vmem>> -> memref<128xi32, #tpu.memory_space<vmem>>
    %dma_start3A_324 = arith.constant 0 : i32
    %dma_start3A_325 = tpu.memref_slice %arg3[%dma_start3A_324] : memref<1600000xf32, #tpu.memory_space<hbm>> -> memref<1600000xf32, #tpu.memory_space<hbm>>
    tpu.enqueue_indirect_dma source(%dma_start3A_325 : memref<1600000xf32, #tpu.memory_space<hbm>>) target(%dma_start3A_321 : memref<128xf32, #tpu.memory_space<vmem>>) offsets(%dma_start3A_323 : memref<128xi32, #tpu.memory_space<vmem>>) semaphore(%arg8 : memref<!tpu.dma_semaphore, #tpu.memory_space<semaphore_mem>>)
    %dma_start3A_326 = arith.constant 128 : i32
    %dma_start3A_327 = tpu.memref_slice %arg7[%dma_start3A_326] : memref<512xf32, #tpu.memory_space<vmem>> -> memref<128xf32, #tpu.memory_space<vmem>>
    %dma_start3A_328 = arith.constant 128 : i32
    %dma_start3A_329 = tpu.memref_slice %arg6[%dma_start3A_328] : memref<512xi32, #tpu.memory_space<vmem>> -> memref<128xi32, #tpu.memory_space<vmem>>
    %dma_start3A_330 = arith.constant 0 : i32
    %dma_start3A_331 = tpu.memref_slice %arg3[%dma_start3A_330] : memref<1600000xf32, #tpu.memory_space<hbm>> -> memref<1600000xf32, #tpu.memory_space<hbm>>
    tpu.enqueue_indirect_dma source(%dma_start3A_331 : memref<1600000xf32, #tpu.memory_space<hbm>>) target(%dma_start3A_327 : memref<128xf32, #tpu.memory_space<vmem>>) offsets(%dma_start3A_329 : memref<128xi32, #tpu.memory_space<vmem>>) semaphore(%arg8 : memref<!tpu.dma_semaphore, #tpu.memory_space<semaphore_mem>>)
    %dma_start3A_332 = arith.constant 256 : i32
    %dma_start3A_333 = tpu.memref_slice %arg7[%dma_start3A_332] : memref<512xf32, #tpu.memory_space<vmem>> -> memref<128xf32, #tpu.memory_space<vmem>>
    %dma_start3A_334 = arith.constant 256 : i32
    %dma_start3A_335 = tpu.memref_slice %arg6[%dma_start3A_334] : memref<512xi32, #tpu.memory_space<vmem>> -> memref<128xi32, #tpu.memory_space<vmem>>
    %dma_start3A_336 = arith.constant 0 : i32
    %dma_start3A_337 = tpu.memref_slice %arg3[%dma_start3A_336] : memref<1600000xf32, #tpu.memory_space<hbm>> -> memref<1600000xf32, #tpu.memory_space<hbm>>
    tpu.enqueue_indirect_dma source(%dma_start3A_337 : memref<1600000xf32, #tpu.memory_space<hbm>>) target(%dma_start3A_333 : memref<128xf32, #tpu.memory_space<vmem>>) offsets(%dma_start3A_335 : memref<128xi32, #tpu.memory_space<vmem>>) semaphore(%arg8 : memref<!tpu.dma_semaphore, #tpu.memory_space<semaphore_mem>>)
    %dma_start3A_338 = arith.constant 384 : i32
    %dma_start3A_339 = tpu.memref_slice %arg7[%dma_start3A_338] : memref<512xf32, #tpu.memory_space<vmem>> -> memref<128xf32, #tpu.memory_space<vmem>>
    %dma_start3A_340 = arith.constant 384 : i32
    %dma_start3A_341 = tpu.memref_slice %arg6[%dma_start3A_340] : memref<512xi32, #tpu.memory_space<vmem>> -> memref<128xi32, #tpu.memory_space<vmem>>
    %dma_start3A_342 = arith.constant 0 : i32
    %dma_start3A_343 = tpu.memref_slice %arg3[%dma_start3A_342] : memref<1600000xf32, #tpu.memory_space<hbm>> -> memref<1600000xf32, #tpu.memory_space<hbm>>
    tpu.enqueue_indirect_dma source(%dma_start3A_343 : memref<1600000xf32, #tpu.memory_space<hbm>>) target(%dma_start3A_339 : memref<128xf32, #tpu.memory_space<vmem>>) offsets(%dma_start3A_341 : memref<128xi32, #tpu.memory_space<vmem>>) semaphore(%arg8 : memref<!tpu.dma_semaphore, #tpu.memory_space<semaphore_mem>>)
    %dma_wait3A = arith.constant 0 : i32
    %dma_wait3A_344 = tpu.memref_slice %arg7[%dma_wait3A] : memref<512xf32, #tpu.memory_space<vmem>> -> memref<128xf32, #tpu.memory_space<vmem>>
    %dma_wait3A_345 = arith.constant 0 : i32
    %dma_wait3A_346 = tpu.memref_slice %arg6[%dma_wait3A_345] : memref<512xi32, #tpu.memory_space<vmem>> -> memref<128xi32, #tpu.memory_space<vmem>>
    %dma_wait3A_347 = arith.constant 0 : i32
    %dma_wait3A_348 = tpu.memref_slice %arg3[%dma_wait3A_347] : memref<1600000xf32, #tpu.memory_space<hbm>> -> memref<1600000xf32, #tpu.memory_space<hbm>>
    tpu.wait_indirect_dma semaphore(%arg8 : memref<!tpu.dma_semaphore, #tpu.memory_space<semaphore_mem>>) src(%dma_wait3A_348 : memref<1600000xf32, #tpu.memory_space<hbm>>) dst(%dma_wait3A_344 : memref<128xf32, #tpu.memory_space<vmem>>)
    %dma_wait3A_349 = arith.constant 128 : i32
    %dma_wait3A_350 = tpu.memref_slice %arg7[%dma_wait3A_349] : memref<512xf32, #tpu.memory_space<vmem>> -> memref<128xf32, #tpu.memory_space<vmem>>
    %dma_wait3A_351 = arith.constant 128 : i32
    %dma_wait3A_352 = tpu.memref_slice %arg6[%dma_wait3A_351] : memref<512xi32, #tpu.memory_space<vmem>> -> memref<128xi32, #tpu.memory_space<vmem>>
    %dma_wait3A_353 = arith.constant 0 : i32
    %dma_wait3A_354 = tpu.memref_slice %arg3[%dma_wait3A_353] : memref<1600000xf32, #tpu.memory_space<hbm>> -> memref<1600000xf32, #tpu.memory_space<hbm>>
    tpu.wait_indirect_dma semaphore(%arg8 : memref<!tpu.dma_semaphore, #tpu.memory_space<semaphore_mem>>) src(%dma_wait3A_354 : memref<1600000xf32, #tpu.memory_space<hbm>>) dst(%dma_wait3A_350 : memref<128xf32, #tpu.memory_space<vmem>>)
    %dma_wait3A_355 = arith.constant 256 : i32
    %dma_wait3A_356 = tpu.memref_slice %arg7[%dma_wait3A_355] : memref<512xf32, #tpu.memory_space<vmem>> -> memref<128xf32, #tpu.memory_space<vmem>>
    %dma_wait3A_357 = arith.constant 256 : i32
    %dma_wait3A_358 = tpu.memref_slice %arg6[%dma_wait3A_357] : memref<512xi32, #tpu.memory_space<vmem>> -> memref<128xi32, #tpu.memory_space<vmem>>
    %dma_wait3A_359 = arith.constant 0 : i32
    %dma_wait3A_360 = tpu.memref_slice %arg3[%dma_wait3A_359] : memref<1600000xf32, #tpu.memory_space<hbm>> -> memref<1600000xf32, #tpu.memory_space<hbm>>
    tpu.wait_indirect_dma semaphore(%arg8 : memref<!tpu.dma_semaphore, #tpu.memory_space<semaphore_mem>>) src(%dma_wait3A_360 : memref<1600000xf32, #tpu.memory_space<hbm>>) dst(%dma_wait3A_356 : memref<128xf32, #tpu.memory_space<vmem>>)
    %dma_wait3A_361 = arith.constant 384 : i32
    %dma_wait3A_362 = tpu.memref_slice %arg7[%dma_wait3A_361] : memref<512xf32, #tpu.memory_space<vmem>> -> memref<128xf32, #tpu.memory_space<vmem>>
    %dma_wait3A_363 = arith.constant 384 : i32
    %dma_wait3A_364 = tpu.memref_slice %arg6[%dma_wait3A_363] : memref<512xi32, #tpu.memory_space<vmem>> -> memref<128xi32, #tpu.memory_space<vmem>>
    %dma_wait3A_365 = arith.constant 0 : i32
    %dma_wait3A_366 = tpu.memref_slice %arg3[%dma_wait3A_365] : memref<1600000xf32, #tpu.memory_space<hbm>> -> memref<1600000xf32, #tpu.memory_space<hbm>>
    tpu.wait_indirect_dma semaphore(%arg8 : memref<!tpu.dma_semaphore, #tpu.memory_space<semaphore_mem>>) src(%dma_wait3A_366 : memref<1600000xf32, #tpu.memory_space<hbm>>) dst(%dma_wait3A_362 : memref<128xf32, #tpu.memory_space<vmem>>)
    "tpu.region"() ({
      %run_scoped3A = tpu.sem_alloc : memref<!tpu.dma_semaphore, #tpu.memory_space<semaphore_mem>>
      %dma_start3A_367 = arith.constant 0 : i32
      %dma_start3A_368 = tpu.memref_slice %arg4[%add3A, %dma_start3A_367] : memref<32x512xf32, #tpu.memory_space<hbm>> -> memref<1x512xf32, #tpu.memory_space<hbm>>
      %dma_start3A_369 = tpu.memref_squeeze %dma_start3A_368 : memref<1x512xf32, #tpu.memory_space<hbm>> -> memref<512xf32, #tpu.memory_space<hbm>>
      %dma_start3A_370 = arith.constant 0 : i32
      %dma_start3A_371 = tpu.memref_slice %arg4[%add3A, %dma_start3A_370] : memref<32x512xf32, #tpu.memory_space<hbm>> -> memref<1x512xf32, #tpu.memory_space<hbm>>
      %dma_start3A_372 = tpu.memref_squeeze %dma_start3A_371 : memref<1x512xf32, #tpu.memory_space<hbm>> -> memref<512xf32, #tpu.memory_space<hbm>>
      tpu.enqueue_dma source(%arg7 : memref<512xf32, #tpu.memory_space<vmem>>) target(%dma_start3A_372 : memref<512xf32, #tpu.memory_space<hbm>>) target_semaphore(%run_scoped3A : memref<!tpu.dma_semaphore, #tpu.memory_space<semaphore_mem>>)
      %dma_wait3A_373 = arith.constant 0 : i32
      %dma_wait3A_374 = tpu.memref_slice %arg4[%add3A, %dma_wait3A_373] : memref<32x512xf32, #tpu.memory_space<hbm>> -> memref<1x512xf32, #tpu.memory_space<hbm>>
      %dma_wait3A_375 = tpu.memref_squeeze %dma_wait3A_374 : memref<1x512xf32, #tpu.memory_space<hbm>> -> memref<512xf32, #tpu.memory_space<hbm>>
      %dma_wait3A_376 = arith.constant 0 : i32
      %dma_wait3A_377 = tpu.memref_slice %arg4[%add3A, %dma_wait3A_376] : memref<32x512xf32, #tpu.memory_space<hbm>> -> memref<1x512xf32, #tpu.memory_space<hbm>>
      %dma_wait3A_378 = tpu.memref_squeeze %dma_wait3A_377 : memref<1x512xf32, #tpu.memory_space<hbm>> -> memref<512xf32, #tpu.memory_space<hbm>>
      tpu.wait_dma2 semaphore(%run_scoped3A : memref<!tpu.dma_semaphore, #tpu.memory_space<semaphore_mem>>) src(%arg7 : memref<512xf32, #tpu.memory_space<vmem>>) dst(%dma_wait3A_378 : memref<512xf32, #tpu.memory_space<hbm>>)
      tpu.yield
    }) : () -> ()
    return
  }
}

module attributes {stable_mosaic.version = 14 : i64} {
  func.func @_out_body(%arg0: i32, %arg1: i32, %arg2: memref<17x2048xbf16, #tpu.memory_space<vmem>>, %arg3: memref<17x1024xbf16, #tpu.memory_space<vmem>>, %arg4: memref<1x1024xf32, #tpu.memory_space<vmem>>, %arg5: memref<2048x1024xf32, #tpu.memory_space<vmem>>) attributes {dimension_semantics = [#tpu.dimension_semantics<parallel>, #tpu.dimension_semantics<parallel>], iteration_bounds = array<i64: 1, 49>, scalar_prefetch = 0 : i64, scratch_operands = 0 : i64, tpu.core_type = #tpu.core_type<tc>, window_params = [{transform_indices = @transform_0, window_bounds = array<i64: 17, 2048>}, {transform_indices = @transform_1, window_bounds = array<i64: 17, 1024>}, {transform_indices = @transform_2, window_bounds = array<i64: 1, 1024>}, {transform_indices = @transform_3, window_bounds = array<i64: 2048, 1024>}]} {
    %get3A = arith.constant 0 : index
    %get3A_0 = arith.constant 0 : index
    %get3A_1 = vector.load %arg2[%get3A, %get3A_0] : memref<17x2048xbf16, #tpu.memory_space<vmem>>, vector<17x2048xbf16>
    %get3A_2 = arith.constant 0 : index
    %get3A_3 = arith.constant 0 : index
    %get3A_4 = vector.load %arg3[%get3A_2, %get3A_3] : memref<17x1024xbf16, #tpu.memory_space<vmem>>, vector<17x1024xbf16>
    %dot_general3A = arith.constant dense<0.000000e+00> : vector<2048x1024xf32>
    %dot_general3A_5 = tpu.matmul %get3A_1, %get3A_4, %dot_general3A {dimension_numbers = #tpu.dot_dimension_numbers<[0], [0], [1], [1], [0, 1, 1, 1], [], []>, transpose_lhs_hint = false} : vector<17x2048xbf16>, vector<17x1024xbf16>, vector<2048x1024xf32> -> vector<2048x1024xf32>
    %get3A_6 = arith.constant 0 : index
    %get3A_7 = arith.constant 0 : index
    %get3A_8 = vector.load %arg4[%get3A_6, %get3A_7] : memref<1x1024xf32, #tpu.memory_space<vmem>>, vector<1x1024xf32>
    %log3A = math.log %get3A_8 : vector<1x1024xf32>
    %log3A_9 = arith.constant 2.000000e+00 : f32
    %log3A_10 = math.log %log3A_9 : f32
    %div3A = vector.broadcast %log3A_10 : f32 to vector<1x1024xf32>
    %div3A_11 = arith.divf %log3A, %div3A : vector<1x1024xf32>
    %sub3A = vector.broadcast %div3A_11 : vector<1x1024xf32> to vector<2048x1024xf32>
    %sub3A_12 = arith.subf %dot_general3A_5, %sub3A : vector<2048x1024xf32>
    %exp23A = math.exp2 %sub3A_12 : vector<2048x1024xf32>
    %swap3A = arith.constant 0 : index
    %swap3A_13 = arith.constant 0 : index
    %swap3A_14 = vector.load %arg5[%swap3A, %swap3A_13] : memref<2048x1024xf32, #tpu.memory_space<vmem>>, vector<2048x1024xf32>
    tpu.vector_store %arg5[%swap3A, %swap3A_13], %exp23A {strides = array<i32>} : memref<2048x1024xf32, #tpu.memory_space<vmem>>, vector<2048x1024xf32>,
    return
  }
  func.func @transform_0(%arg0: i32, %arg1: i32) -> (i32, i32) {
    %c0_i32 = arith.constant 0 : i32
    %c0_i32_0 = arith.constant 0 : i32
    return %c0_i32, %arg1 : i32, i32
  }
  func.func @transform_1(%arg0: i32, %arg1: i32) -> (i32, i32) {
    %c0_i32 = arith.constant 0 : i32
    %c0_i32_0 = arith.constant 0 : i32
    return %c0_i32, %arg0 : i32, i32
  }
  func.func @transform_2(%arg0: i32, %arg1: i32) -> (i32, i32) {
    %c0_i32 = arith.constant 0 : i32
    %c0_i32_0 = arith.constant 0 : i32
    return %c0_i32, %arg0 : i32, i32
  }
  func.func @transform_3(%arg0: i32, %arg1: i32) -> (i32, i32) {
    %c0_i32 = arith.constant 0 : i32
    return %arg1, %arg0 : i32, i32
  }
}

module attributes {stable_mosaic.version = 14 : i64} {
  func.func @_stats_body(%arg0: i32, %arg1: memref<17x7168xbf16, #tpu.memory_space<vmem>>, %arg2: memref<17x1024xbf16, #tpu.memory_space<vmem>>, %arg3: memref<1x1024xf32, #tpu.memory_space<vmem>>) attributes {dimension_semantics = [#tpu.dimension_semantics<arbitrary>], iteration_bounds = array<i64: 14>, scalar_prefetch = 0 : i64, scratch_operands = 0 : i64, tpu.core_type = #tpu.core_type<tc>, window_params = [{transform_indices = @transform_0, window_bounds = array<i64: 17, 7168>}, {pipeline_mode = #tpu.pipeline_mode<synchronous>, transform_indices = @transform_1, window_bounds = array<i64: 17, 1024>}, {pipeline_mode = #tpu.pipeline_mode<synchronous>, transform_indices = @transform_2, window_bounds = array<i64: 1, 1024>}]} {
    %eq3A = arith.constant 0 : i32
    %eq3A_0 = arith.cmpi eq, %arg0, %eq3A : i32
    %convert_element_type3A = arith.extui %eq3A_0 : i1 to i32
    %cond3A = arith.constant 0 : i32
    %cond3A_1 = arith.cmpi ne, %convert_element_type3A, %cond3A : i32
    scf.if %cond3A_1 {
      %broadcast_in_dim3A_14 = arith.constant 0.000000e+00 : f32
      %broadcast_in_dim3A_15 = vector.broadcast %broadcast_in_dim3A_14 : f32 to vector<1x1024xf32>
      %swap3A_16 = arith.constant 0 : index
      %swap3A_17 = arith.constant 0 : index
      %swap3A_18 = vector.load %arg3[%swap3A_16, %swap3A_17] : memref<1x1024xf32, #tpu.memory_space<vmem>>, vector<1x1024xf32>
      tpu.vector_store %arg3[%swap3A_16, %swap3A_17], %broadcast_in_dim3A_15 {strides = array<i32>} : memref<1x1024xf32, #tpu.memory_space<vmem>>, vector<1x1024xf32>,
    } else {
    }
    %get3A = arith.constant 0 : index
    %get3A_2 = arith.constant 0 : index
    %get3A_3 = vector.load %arg1[%get3A, %get3A_2] : memref<17x7168xbf16, #tpu.memory_space<vmem>>, vector<17x7168xbf16>
    %get3A_4 = arith.constant 0 : index
    %get3A_5 = arith.constant 0 : index
    %get3A_6 = vector.load %arg2[%get3A_4, %get3A_5] : memref<17x1024xbf16, #tpu.memory_space<vmem>>, vector<17x1024xbf16>
    %dot_general3A = arith.constant dense<0.000000e+00> : vector<7168x1024xf32>
    %dot_general3A_7 = tpu.matmul %get3A_3, %get3A_6, %dot_general3A {dimension_numbers = #tpu.dot_dimension_numbers<[0], [0], [1], [1], [0, 1, 1, 1], [], []>, transpose_lhs_hint = false} : vector<17x7168xbf16>, vector<17x1024xbf16>, vector<7168x1024xf32> -> vector<7168x1024xf32>
    %get3A_8 = arith.constant 0 : index
    %get3A_9 = arith.constant 0 : index
    %get3A_10 = vector.load %arg3[%get3A_8, %get3A_9] : memref<1x1024xf32, #tpu.memory_space<vmem>>, vector<1x1024xf32>
    %exp23A = math.exp2 %dot_general3A_7 : vector<7168x1024xf32>
    %reduce_sum3A = arith.constant dense<0.000000e+00> : vector<1024xf32>
    %reduce_sum3A_11 = vector.multi_reduction <add>, %exp23A, %reduce_sum3A [0] : vector<7168x1024xf32> to vector<1024xf32>
    %broadcast_in_dim3A = vector.shape_cast %reduce_sum3A_11 : vector<1024xf32> to vector<1x1024xf32>
    %add3A = arith.addf %get3A_10, %broadcast_in_dim3A : vector<1x1024xf32>
    %swap3A = arith.constant 0 : index
    %swap3A_12 = arith.constant 0 : index
    %swap3A_13 = vector.load %arg3[%swap3A, %swap3A_12] : memref<1x1024xf32, #tpu.memory_space<vmem>>, vector<1x1024xf32>
    tpu.vector_store %arg3[%swap3A, %swap3A_12], %add3A {strides = array<i32>} : memref<1x1024xf32, #tpu.memory_space<vmem>>, vector<1x1024xf32>,
    return
  }
  func.func @transform_0(%arg0: i32) -> (i32, i32) {
    %c0_i32 = arith.constant 0 : i32
    %c0_i32_0 = arith.constant 0 : i32
    return %c0_i32, %arg0 : i32, i32
  }
  func.func @transform_1(%arg0: i32) -> (i32, i32) {
    %c0_i32 = arith.constant 0 : i32
    %c0_i32_0 = arith.constant 0 : i32
    %c0_i32_1 = arith.constant 0 : i32
    return %c0_i32, %c0_i32_0 : i32, i32
  }
  func.func @transform_2(%arg0: i32) -> (i32, i32) {
    %c0_i32 = arith.constant 0 : i32
    %c0_i32_0 = arith.constant 0 : i32
    %c0_i32_1 = arith.constant 0 : i32
    return %c0_i32, %c0_i32_0 : i32, i32
  }
}

</mosaic_0001>

<sc_bundles>
// kernel: kernel.5.cloned.1.call-start
scs
__scs_entry_jumppad:
0x0: {  	(pc) =	sbr.rel $0x88, $3  }
0x1: {  	(tag) =	ssettag $0x0;
	lr =	simm.s32 $0x1  }
0x2: {  	[smem:$0x3F9D] =	sst lr;
	_ =	strace $0xD0000000  }
0x3: {  	_ = 	snop  }
0x4: {  	_ = 	snop  }
0x5: {  	_ = 	snop  }
0x6: {  	_ = 	snop  }
0x7: {  	_ = 	snop  }
__scs_overlays_trampoline_lowered:
0x8: {  	[smem:$0x3FAC] =	sst s0  }
0x9: {  	[smem:$0x3FAD] =	sst s1  }
0xa: {  	[smem:$0x3FAE] =	sst s2  }
0xb: {  	[smem:$0x3FAF] =	sst s3  }
0xc: {  	[smem:$0x3FB0] =	sst s4  }
0xd: {  	[smem:$0x3FB1] =	sst s5  }
0xe: {  	[smem:$0x3FB2] =	sst s6  }
0xf: {  	[smem:$0x3FB3] =	sst s7  }
0x10: {  	[smem:$0x3FB4] =	sst s8  }
0x11: {  	[smem:$0x3FB5] =	sst s9;
	s0 =	simm.s32 @!p0 $0x0  }
0x12: {  	s1 =	sld [smem:$0x3F9B];
	s0 =	simm.s32 @p0 $0x1  }
0x13: {  	[smem:$0x3FB6] =	sst s0;
	s0 =	simm.s32 @!p1 $0x0  }
0x14: {  	s2 =	sld [smem:$0x3F9A];
	s0 =	simm.s32 @p1 $0x1  }
0x15: {  	[smem:$0x3FB7] =	sst s0;
	s0 =	simm.s32 @!p2 $0x0  }
0x16: {  	s3 =	sld [smem:$0x3FDB];
	s0 =	simm.s32 @p2 $0x1  }
0x17: {  	s4 =	simm.s32 $0x1BF5;
	[smem:$0x3FB9] =	sst s0  }
0x18: {  	s0 =	sld [smem:$0x3F9C];
	_ =	swait.ge [sflag:s4], $0x0  }
0x19: {  	s7 =	sld [smem:$0x3F9D]  }
0x1a: {  	s8 =	sadd.s32 $0xFFFFE003, lr  }
0x1b: {  	s9 =	sadd.s32 $0xFFFFFEF7, lr;
	s5 =	simm.s32 $0xFFFFFFFF;
	p2 =	slt.u32 s8, $0xFFFFF086  }
0x1c: {  	p1 =	slt.u32 s9, $0xF7A;
	s5 =	simm.s32 @!p2 $0x0  }
0x1d: {  	s5 =	simm.s32 @p1 $0x1;
	p0 =	seq.s32 s7, s2  }
0x1e: {  	s7 =	smul.u32 @!p0 $0xF7A, s2;
	p2 =	seq.s32 @!p0 s5, $0x0  }
0x1f: {  	s9 =	smul.u32 $0xF7A, s1;
	s8 =	simm.s32 @!p0 $0x1BF5;
	p2 =	por !p2, p0  }
0x20: {  	[sflag:s8] =	ssyncset.s32 @!p0 $0xFFFFF086;
	s6 =	sadd.s32 @!p0 s3, s7;
	s7 =	simm.s32 @!p0 $0x108  }
0x21: {  	s3 =	sadd.s32 s3, s9;
	s6 =	sadd.s32 @!p0 $0x88, s6;
	s7 =	simm.s32 @p2 $0x1082  }
0x22: {  	[simem:s7], [sflag:s8] =	dma.local @!p0 [hbm:s6], $0xF7A  }
0x23: {  	s9 =	sor.u32 $0xD0000000, s2;
	s6 =	simm.s32 $0x108;
	_ =	swait.ge @!p0 [sflag:s8], $0x0  }
0x24: {  	s3 =	sadd.s32 $0x88, s3;
	s6 =	simm.s32 @!p1 $0x1082;
	[sflag:s4] =	ssyncset.s32 $0xFFFFF086  }
0x25: {  	[simem:s6], [sflag:s4] =	dma.local [hbm:s3], $0xF7A  }
0x26: {  	[smem:$0x3F9D] =	sst s1;
	(tag) =	ssettag s2;
	_ =	strace s9  }
0x27: {  	s1 =	sld [smem:$0x3FAD]  }
0x28: {  	s2 =	sld [smem:$0x3FAE]  }
0x29: {  	s4 =	sld [smem:$0x3FB0]  }
0x2a: {  	p0 =	seq.s32 s5, $0x0;
	s5 =	sld [smem:$0x3FB1]  }
0x2b: {  	s6 =	sld [smem:$0x3FB2]  }
0x2c: {  	s7 =	sld [smem:$0x3FB3]  }
0x2d: {  	s3 =	simm.s32 $0x108;
	s8 =	sld [smem:$0x3FB4]  }
0x2e: {  	s3 =	simm.s32 @!p0 $0x1082;
	s9 =	sld [smem:$0x3FB5]  }
0x2f: {  	lr =	sadd.s32 s0, s3;
	s0 =	sld [smem:$0x3FAC]  }
0x30: {  	s3 =	sld [smem:$0x3FAF]  }
0x31: {  	[smem:$0x3FB8] =	sst s10  }
0x32: {  	s10 =	sld [smem:$0x3FB6];
	_ =	sdelay $0x3  }
0x33: {  	p0 =	seq.s32 s10, $0x1;
	s10 =	sld [smem:$0x3FB8];
	_ =	sdelay $0x3  }
0x34: {  	[smem:$0x3FB8] =	sst s10  }
0x35: {  	s10 =	sld [smem:$0x3FB7];
	_ =	sdelay $0x3  }
0x36: {  	p1 =	seq.s32 s10, $0x1;
	s10 =	sld [smem:$0x3FB8];
	_ =	sdelay $0x3  }
0x37: {  	[smem:$0x3FB8] =	sst s10  }
0x38: {  	s10 =	sld [smem:$0x3FB9]  }
0x39: {  	_ = 	snop;
	(pc) =	sbr.ind lr, $3  }
0x3a: {  	_ = 	snop  }
0x3b: {  	_ = 	snop  }
0x3c: {  	p2 =	seq.s32 s10, $0x1;
	s10 =	sld [smem:$0x3FB8]  }
0x3d: {  	_ =	shalt  }
0x3e: {  	_ =	shalt  }
0x3f: {  	_ =	shalt  }
0x40: {  	_ =	shalt  }
0x41: {  	_ =	shalt  }
0x42: {  	_ =	shalt  }
0x43: {  	_ =	shalt  }
0x44: {  	_ =	shalt  }
0x45: {  	_ =	shalt  }
0x46: {  	_ =	shalt  }
0x47: {  	_ =	shalt  }
0x48: {  	_ =	shalt  }
0x49: {  	_ =	shalt  }
0x4a: {  	_ =	shalt  }
0x4b: {  	_ =	shalt  }
0x4c: {  	_ =	shalt  }
0x4d: {  	_ =	shalt  }
0x4e: {  	_ =	shalt  }
0x4f: {  	_ =	shalt  }
0x50: {  	_ =	shalt  }
0x51: {  	_ =	shalt  }
0x52: {  	_ =	shalt  }
0x53: {  	_ =	shalt  }
0x54: {  	_ =	shalt  }
0x55: {  	_ =	shalt  }
0x56: {  	_ =	shalt  }
0x57: {  	_ =	shalt  }
0x58: {  	_ =	shalt  }
0x59: {  	_ =	shalt  }
0x5a: {  	_ =	shalt  }
0x5b: {  	_ =	shalt  }
0x5c: {  	_ =	shalt  }
0x5d: {  	_ =	shalt  }
0x5e: {  	_ =	shalt  }
0x5f: {  	_ =	shalt  }
0x60: {  	_ =	shalt  }
0x61: {  	_ =	shalt  }
0x62: {  	_ =	shalt  }
0x63: {  	_ =	shalt  }
0x64: {  	_ =	shalt  }
0x65: {  	_ =	shalt  }
0x66: {  	_ =	shalt  }
0x67: {  	_ =	shalt  }
0x68: {  	_ =	shalt  }
0x69: {  	_ =	shalt  }
0x6a: {  	_ =	shalt  }
0x6b: {  	_ =	shalt  }
0x6c: {  	_ =	shalt  }
0x6d: {  	_ =	shalt  }
0x6e: {  	_ =	shalt  }
0x6f: {  	_ =	shalt  }
0x70: {  	_ =	shalt  }
0x71: {  	_ =	shalt  }
0x72: {  	_ =	shalt  }
0x73: {  	_ =	shalt  }
0x74: {  	_ =	shalt  }
0x75: {  	_ =	shalt  }
0x76: {  	_ =	shalt  }
0x77: {  	_ =	shalt  }
0x78: {  	_ =	shalt  }
0x79: {  	_ =	shalt  }
0x7a: {  	_ =	shalt  }
0x7b: {  	_ =	shalt  }
0x7c: {  	_ =	shalt  }
0x7d: {  	_ =	shalt  }
0x7e: {  	_ =	shalt  }
0x7f: {  	_ =	shalt  }
0x80: {  	_ =	shalt  }
0x81: {  	_ =	shalt  }
0x82: {  	_ =	shalt  }
0x83: {  	_ =	shalt  }
0x84: {  	_ =	shalt  }
0x85: {  	_ =	shalt  }
0x86: {  	_ =	shalt  }
0x87: {  	_ =	shalt  }
.Lfunc_end0:
.L_simem_size_0:
called_computation_lowered:
.L_overlay_start_0:
0x88: {  	s2 =	sld [smem:$0x3FD9]  }
0x89: {  	s3 =	sld [smem:$0x3FFE];
	_ =	sdelay $0x1  }
0x8a: {  	s1 =	srdreg.scid  }
0x8b: {  	s0 =	sand.u32 $0x1, s1  }
0x8c: {  	s17 =	sshll.u32 s0, $0xA;
	s2 =	sadd.s32 s3, s2  }
0x8d: {  	s2 =	sadd.s32 s2, s17  }
0x8e: {  	[smem:$0x3FC4] =	sst s2  }
0x8f: {  	_ = 	snop  }
0x90: {  	s2 =	sld [smem:$0x3FC9]  }
0x91: {  	s18 =	sld [smem:$0x3FD0];
	(tm) =	ssettm $0x1  }
0x92: {  	s4 =	sld [smem:$0x3FFB];
	_ =	sdelay $0x3  }
0x93: {  	_ =	strace s4  }
0x94: {  	s4 =	sld [smem:$0x3FFC];
	_ =	sdelay $0x3  }
0x95: {  	_ =	strace s4  }
0x96: {  	s4 =	sld [smem:$0x3FFD];
	_ =	sdelay $0x3  }
0x97: {  	_ =	strace s4  }
0x98: {  	_ =	strace $0x8FFFFFFF  }
0x99: {  	s19 =	sld [smem:$0x3FDB];
	_ =	sdelay $0x1  }
0x9a: {  	s5 =	simm.s32 $_scs_section_size  }
0x9b: {  	s6 =	simm.s32 $_size__tile_overlayer_lowered;
	s7 =	simm.s32 $_tile_overlayer_lowered  }
0x9c: {  	s22 =	simm.s32 $0x1BFF;
	s21 =	sshll.u32 s7, $0x1;
	s4 =	sadd.s32 s5, s19  }
0x9d: {  	s8 =	simm.s32 $0x0;
	s20 =	sshll.u32 s6, $0x1;
	s6 =	sadd.s32 s21, s4  }
0x9e: {  	[timem:s8], [sflag:s22] =	dma.local [hbm:s6], s20  }
0x9f: {  	_ =	swait.ge [sflag:s22], s20  }
0xa0: {  	s5 =	ssub.s32 $0x0, s20;
	[sflag:s22] =	ssyncset.done $0x0  }
0xa1: {  	[sflag:s22] =	ssyncadd.s32 s5;
	_ =	sdelay $0x1  }
0xa2: {  	s23 =	simm.s32 $0x1B8B  }
0xa3: {  	_ =	swait.ge [sflag:s23], $0x1  }
0xa4: {  	[sflag:s23] =	ssyncset.done $0x0  }
0xa5: {  	s25 =	simm.s32 $0x1B8E;
	s24 =	sld [smem:$0x3FFE];
	[sflag:s23] =	ssyncadd.s32 $0xFFFFFFFF  }
0xa6: {  	s26 =	simm.s32 $execute0_lowered;
	[smem:$0x3FD2] =	sst s25  }
0xa7: {  	s6 =	sshll.u32 s26, $0x1;
	_ =	strace $0x80000046;
	[dreg:$0x1] =	wrdreg $0xFFFFFFFF  }
0xa8: {  	s28 =	simm.s32 $_size_execute0_lowered;
	s4 =	sadd.s32 s4, s6;
	[dreg:$0x0] =	wrdreg $0x0  }
0xa9: {  	s6 =	sshll.u32 s28, $0x1;
	[dreg:$0x2] =	wrdreg s4  }
0xaa: {  	[dreg:$0x3] =	wrdreg s6  }
0xab: {  	[dreg:$0x4] =	wrdreg $0xC0  }
0xac: {  	_ =	task [dreg:s8], $0x5FFFF  }
0xad: {  	[dreg:$0x1] =	wrdreg $0xFFFFFFFF  }
0xae: {  	[dreg:$0x0] =	wrdreg $0x60  }
0xaf: {  	[dreg:$0x2] =	wrdreg s2  }
0xb0: {  	[dreg:$0x3] =	wrdreg s18  }
0xb1: {  	[dreg:$0x4] =	wrdreg s24  }
0xb2: {  	[dreg:$0x5] =	wrdreg $0x9  }
0xb3: {  	_ =	task.clear_ibuf [dreg:s8], $0x6FFFF;
	_ =	strace $0x90000046  }
0xb4: {  	s29 =	simm.s32 $0x9;
	_ =	strace $0x80000048  }
0xb5: {  	_ =	swait.ge [sflag:s29], $0x1  }
0xb6: {  	[sflag:s29] =	ssyncadd.s32 $0xFFFFFFFF  }
0xb7: {  	_ =	strace $0x90000048  }
0xb8: {  	_ =	sfence  }
0xb9: {  	s30 =	sld [smem:$0x0];
	_ =	sdelay $0x2  }
0xba: {  	s31 =	sshll.u32 s1, $0xD;
	s1 =	sshrl.u32 s1, $0x2  }
0xbb: {  	s3 =	sand.u32 $0x4000, s31;
	s1 =	sadd.s32 s1, s30  }
0xbc: {  	s0 =	sor.u32 s3, s0;
	s1 =	sshll.u32 s1, $0x11  }
0xbd: {  	s0 =	sor.u32 s1, s0  }
0xbe: {  	s0 =	sadd.s32 $0x8F2B, s0  }
0xbf: {  	[sflag:s0] =	ssyncadd.remote.s32 $0x1  }
0xc0: {  	_ =	sfence.sel $0xFFFF  }
0xc1: {  	[dreg:$0x0] =	wrdreg $0xFFFFFFFF;
	(pc) =	sbr.abs _section_cstart, $3  }
0xc2: {  	[dreg:$0x1] =	wrdreg $0xFFFFFFFF  }
0xc3: {  	_ =	task.clear_ibuf [dreg:s8], $0x2FFFF;
	_ =	strace $0x9FFFFFFF  }
0xc4: {  	(tm) =	ssettm $0x7FFFFFFF  }
0xc5: {  	_ =	shalt  }
tec
execute0_lowered:
.L_overlay_start_1:
0x0: {  	(tag) =	ssettag $0x1  }
0x1: {  	s3 =	rddreg [dreg:$0x0]  }
0x2: {  	s4 =	rddreg [dreg:$0x1]  }
0x3: {  	s1 =	srdreg.scid;
	s0 =	stileid.u32  }
0x4: {  	s5 =	rddreg [dreg:$0x2];
	s6 =	sand.u32 $0x1, s1;
	s7 =	sshll.u32 s0, $0x1  }
0x5: {  	s2 =	simm.s32 $0x0;
	s1 =	rddreg [dreg:$0x3];
	s7 =	sor.u32 s6, s7  }
0x6: {  	[smem:$0x7FF] =	sst s2;
	s8 =	sshll.u32 s7, $0x2  }
0x7: {  	_ =	strace $0x80000047;
	s16 =	sadd.s32 s3, s8;
	s3 =	simm.s32 $0x2  }
0x8: {  	[tilespmem:s2], [sflag:$0x2] =	stream.linear.gather [hbm4b:s16+s2], $0x20, $0x38;
	[tilespmem:$0x420] =	vst v63  }
0x9: {  	s6 =	ssub.s32 $0x2, s6;
	_ =	swait.ge [sflag:s3], $0x20  }
0xa: {  	s31 =	sshrl.u32 s6, $0x1;
	[sflag:s3] =	ssyncset.done $0x0  }
0xb: {  	s6 =	ssub.s32 s6, s31;
	[sflag:s3] =	ssyncadd.s32 $0xFFFFFFE0  }
0xc: {  	s17 =	smax.u32 s6, $0x1;
	v2 =	vld [tilespmem:$0x0]  }
0xd: {  	p0 =	sne.s32 s17, $0x1;
	v6 =	vld [tilespmem:$0x10]  }
.Ltmp0:
0xe: {  	s9 =	simm.s32 $0x20;
	s10 =	simm.s32 $0xA0;
	v1 =	vld [tilespmem:$0x10];
	(pc) =	sbr.rel @!p0 .LBB2_2-.Ltmp0, $4  }
0xf: {  	s11 =	simm.s32 $0x2A0;
	s12 =	simm.s32 $0x120;
	s13 =	simm.s32 $0x320;
	v0 =	vld [tilespmem:$0x10]  }
0x10: {  	s14 =	simm.s32 $0x1A0;
	s15 =	simm.s32 $0x3A0;
	s7 =	sshll.u32 s7, $0x6;
	v4 =	vld [tilespmem:$0x10]  }
0x11: {  	s5 =	sadd.s32 s7, s5;
	s7 =	simm.s32 $0x80;
	s8 =	simm.s32 $0x1;
	v5 =	vld [tilespmem:$0x10]  }
0x12: {  	s5 =	sadd.s32 $0x1000, s5;
	s6 =	simm.s32 $0x220;
	s17 =	sadd.s32 $0xFFFFFFFF, s17;
	v3 =	vld [tilespmem:$0x0];
	v6 =	vadd.s32 $0xF4240, v6  }
.LBB2_1:
0x13: {  	p0 =	sne.s32 s17, $0x1;
	s17 =	sadd.s32 $0xFFFFFFFF, s17;
	v7 =	vld [tilespmem:$0x10]  }
0x14: {  	[tilespmem:$0x170] =	vst v6;
	v6 =	vld [tilespmem:$0x0]  }
0x15: {  	v0 =	vadd.s32 $0x124F80, v0;
	[tilespmem:$0x20] =	vst v2;
	v2 =	vadd.s32 $0xC3500, v4;
	v4 =	vld [tilespmem:$0x0]  }
0x16: {  	v1 =	vadd.s32 $0x13D620, v1;
	v5 =	vadd.s32 $0x61A80, v5;
	[tilespmem:$0x130] =	vst v2  }
0x17: {  	v2 =	vld [tilespmem:$0x10];
	v3 =	vadd.s32 $0x186A0, v3;
	[tilespmem:$0xB0] =	vst v5  }
0x18: {  	v5 =	vld [tilespmem:$0x10];
	[tilespmem:$0x1D0] =	vst v1;
	v1 =	vadd.s32 $0x155CC0, v7  }
0x19: {  	v7 =	vld [tilespmem:$0x0];
	v6 =	vadd.s32 $0x155CC0, v6;
	[tilespmem:$0x1F0] =	vst v1  }
0x1a: {  	[tilespmem:$0x40] =	vst v3;
	v1 =	vadd.s32 $0x16E360, v4;
	v3 =	vld [tilespmem:$0x10]  }
0x1b: {  	v4 =	vld [tilespmem:$0x0];
	[tilespmem:$0x200] =	vst v1  }
0x1c: {  	[tilespmem:$0x30] =	vst v2;
	v1 =	vld [tilespmem:$0x10]  }
0x1d: {  	v2 =	vadd.s32 $0x186A0, v5;
	v5 =	vld [tilespmem:$0x0];
	[tilespmem:$0x1B0] =	vst v0  }
0x1e: {  	[tilespmem:$0x50] =	vst v2;
	v0 =	vadd.s32 $0x30D40, v7;
	v2 =	vld [tilespmem:$0x0]  }
0x1f: {  	[tilespmem:$0x60] =	vst v0;
	v0 =	vld [tilespmem:$0x10];
	v3 =	vadd.s32 $0x16E360, v3  }
0x20: {  	v4 =	vadd.s32 $0x493E0, v4;
	v7 =	vld [tilespmem:$0x0];
	[tilespmem:$0x210] =	vst v3  }
0x21: {  	v3 =	vld [tilespmem:$0x10];
	[tilespmem:$0x80] =	vst v4;
	v1 =	vadd.s32 $0x493E0, v1  }
0x22: {  	[tilespmem:$0x90] =	vst v1;
	v1 =	vadd.s32 $0x61A80, v5;
	v4 =	vld [tilespmem:$0x0]  }
0x23: {  	[tilespmem:$0xA0] =	vst v1;
	v1 =	vadd.s32 $0x7A120, v2;
	v2 =	vld [tilespmem:$0x10]  }
0x24: {  	[tilespmem:$0xC0] =	vst v1;
	v0 =	vadd.s32 $0x7A120, v0;
	v1 =	vld [tilespmem:$0x0]  }
0x25: {  	[tilespmem:$0xD0] =	vst v0;
	v0 =	vadd.s32 $0x927C0, v7;
	v5 =	vld [tilespmem:$0x0]  }
0x26: {  	v3 =	vadd.s32 $0x30D40, v3;
	[tilespmem:$0xE0] =	vst v0;
	v0 =	vld [tilespmem:$0x10]  }
0x27: {  	[tilespmem:$0x70] =	vst v3;
	v3 =	vadd.s32 $0xAAE60, v4;
	v4 =	vld [tilespmem:$0x0]  }
0x28: {  	v7 =	vld [tilespmem:$0x10];
	[tilespmem:$0x100] =	vst v3;
	v2 =	vadd.s32 $0xAAE60, v2  }
0x29: {  	[tilespmem:$0x110] =	vst v2;
	v1 =	vadd.s32 $0xC3500, v1;
	v2 =	vld [tilespmem:$0x0]  }
0x2a: {  	[tilespmem:$0x120] =	vst v1;
	v1 =	vadd.s32 $0xDBBA0, v5;
	v3 =	vld [tilespmem:$0x10]  }
0x2b: {  	[tilespmem:$0x140] =	vst v1;
	v0 =	vadd.s32 $0xDBBA0, v0;
	v1 =	vld [tilespmem:$0x0]  }
0x2c: {  	[tilespmem:$0x150] =	vst v0;
	v0 =	vadd.s32 $0xF4240, v4;
	v4 =	vld [tilespmem:$0x0]  }
0x2d: {  	v5 =	vadd.s32 $0x927C0, v7;
	[tilespmem:$0x160] =	vst v0  }
0x2e: {  	[tilespmem:$0xF0] =	vst v5;
	v0 =	vadd.s32 $0x10C8E0, v2  }
0x2f: {  	[tilespmem:$0x180] =	vst v0;
	v0 =	vadd.s32 $0x10C8E0, v3  }
0x30: {  	[tilespmem:$0x190] =	vst v0;
	v0 =	vadd.s32 $0x124F80, v1  }
0x31: {  	[tilespmem:$0x1A0] =	vst v0;
	v0 =	vadd.s32 $0x13D620, v4  }
0x32: {  	[tilespmem:$0x1C0] =	vst v0  }
0x33: {  	[tilespmem:$0x1E0] =	vst v6  }
0x34: {  	[tilespmem:s6], [sflag:$0x1] =	stream.indirect.gather [hbm4b:s4+s7], $0x1, s9, s7, $0xb8;
	[tilespmem:$0x420] =	vst v63  }
0x35: {  	_ = 	snop  }
0x36: {  	[tilespmem:s11], [sflag:$0x1] =	stream.indirect.gather [hbm4b:s4+s7], $0x1, s10, s7, $0xb8;
	[tilespmem:$0x420] =	vst v63  }
0x37: {  	_ = 	snop  }
0x38: {  	[tilespmem:s13], [sflag:$0x1] =	stream.indirect.gather [hbm4b:s4+s7], $0x1, s12, s7, $0xb8;
	[tilespmem:$0x420] =	vst v63  }
0x39: {  	_ = 	snop  }
0x3a: {  	[tilespmem:s15], [sflag:$0x1] =	stream.indirect.gather [hbm4b:s4+s7], $0x1, s14, s7, $0xb8;
	[tilespmem:$0x420] =	vst v63  }
0x3b: {  	_ =	swait.ge [sflag:s8], $0x80  }
0x3c: {  	[sflag:s8] =	ssyncset.done $0x0  }
0x3d: {  	[sflag:s8] =	ssyncadd.s32 $0xFFFFFF80  }
0x3e: {  	_ =	swait.ge [sflag:s8], $0x80  }
0x3f: {  	[sflag:s8] =	ssyncset.done $0x0  }
0x40: {  	[sflag:s8] =	ssyncadd.s32 $0xFFFFFF80  }
0x41: {  	_ =	swait.ge [sflag:s8], $0x80  }
0x42: {  	[sflag:s8] =	ssyncset.done $0x0  }
0x43: {  	[sflag:s8] =	ssyncadd.s32 $0xFFFFFF80  }
0x44: {  	_ =	swait.ge [sflag:s8], $0x80  }
0x45: {  	[sflag:s8] =	ssyncset.done $0x0  }
0x46: {  	[sflag:s8] =	ssyncadd.s32 $0xFFFFFF80  }
0x47: {  	[hbm4b:s5+s2] =	stream.linear.scatter [tilespmem:s6], [sflag:$0x2], $0x200, $0x38;
	[tilespmem:$0x420] =	vst v63  }
0x48: {  	_ =	swait.ge [sflag:s3], $0x200  }
0x49: {  	[sflag:s3] =	ssyncset.done $0x0  }
0x4a: {  	[sflag:s3] =	ssyncadd.s32 $0xFFFFFE00  }
0x4b: {  	[tilespmem:s2], [sflag:$0x2] =	stream.linear.gather [hbm4b:s16+s2], $0x20, $0x38;
	[tilespmem:$0x420] =	vst v63  }
0x4c: {  	_ =	swait.ge [sflag:s3], $0x20  }
0x4d: {  	[sflag:s3] =	ssyncset.done $0x0  }
0x4e: {  	[sflag:s3] =	ssyncadd.s32 $0xFFFFFFE0  }
0x4f: {  	v2 =	vld [tilespmem:$0x0]  }
0x50: {  	v6 =	vld [tilespmem:$0x10]  }
.Ltmp1:
0x51: {  	v1 =	vld [tilespmem:$0x10];
	(pc) =	sbr.rel @p0 .LBB2_1-.Ltmp1, $4  }
0x52: {  	v0 =	vld [tilespmem:$0x10]  }
0x53: {  	v4 =	vld [tilespmem:$0x10]  }
0x54: {  	v5 =	vld [tilespmem:$0x10]  }
0x55: {  	v3 =	vld [tilespmem:$0x0];
	v6 =	vadd.s32 $0xF4240, v6  }
.LBB2_2:
0x56: {  	[tilespmem:$0x170] =	vst v6  }
0x57: {  	v7 =	vld [tilespmem:$0x10];
	[tilespmem:$0x20] =	vst v2;
	v1 =	vadd.s32 $0x13D620, v1  }
0x58: {  	v26 =	vld [tilespmem:$0x10];
	[tilespmem:$0x1D0] =	vst v1;
	v0 =	vadd.s32 $0x124F80, v0  }
0x59: {  	v25 =	vld [tilespmem:$0x0];
	v24 =	vadd.s32 $0xC3500, v4;
	[tilespmem:$0x1B0] =	vst v0  }
0x5a: {  	v27 =	vld [tilespmem:$0x10];
	v5 =	vadd.s32 $0x61A80, v5;
	[tilespmem:$0x130] =	vst v24  }
0x5b: {  	v29 =	vld [tilespmem:$0x0];
	[tilespmem:$0xB0] =	vst v5;
	v3 =	vadd.s32 $0x186A0, v3  }
0x5c: {  	v31 =	vld [tilespmem:$0x10];
	[tilespmem:$0x40] =	vst v3  }
0x5d: {  	v32 =	vld [tilespmem:$0x0];
	v28 =	vadd.s32 $0x155CC0, v7;
	[tilespmem:$0x30] =	vst v26  }
0x5e: {  	v33 =	vld [tilespmem:$0x10];
	v30 =	vadd.s32 $0x16E360, v25;
	[tilespmem:$0x1F0] =	vst v28  }
0x5f: {  	v35 =	vld [tilespmem:$0x0];
	v34 =	vadd.s32 $0x186A0, v27;
	[tilespmem:$0x200] =	vst v30  }
0x60: {  	v37 =	vld [tilespmem:$0x0];
	v36 =	vadd.s32 $0x30D40, v29;
	[tilespmem:$0x50] =	vst v34  }
0x61: {  	v38 =	vld [tilespmem:$0x10];
	v3 =	vadd.s32 $0x16E360, v31;
	[tilespmem:$0x60] =	vst v36  }
0x62: {  	v39 =	vld [tilespmem:$0x0];
	v4 =	vadd.s32 $0x493E0, v32;
	[tilespmem:$0x210] =	vst v3  }
0x63: {  	v42 =	vld [tilespmem:$0x0];
	v1 =	vadd.s32 $0x493E0, v33;
	[tilespmem:$0x80] =	vst v4  }
0x64: {  	v44 =	vld [tilespmem:$0x10];
	v41 =	vadd.s32 $0x61A80, v35;
	[tilespmem:$0x90] =	vst v1  }
0x65: {  	v47 =	vld [tilespmem:$0x0];
	v43 =	vadd.s32 $0x7A120, v37;
	[tilespmem:$0xA0] =	vst v41  }
0x66: {  	v50 =	vld [tilespmem:$0x0];
	v0 =	vadd.s32 $0x7A120, v38;
	[tilespmem:$0xC0] =	vst v43  }
0x67: {  	v51 =	vld [tilespmem:$0x10];
	v46 =	vadd.s32 $0x927C0, v39;
	[tilespmem:$0xD0] =	vst v0  }
0x68: {  	v52 =	vld [tilespmem:$0x0];
	v49 =	vadd.s32 $0xAAE60, v42;
	[tilespmem:$0xE0] =	vst v46  }
0x69: {  	v54 =	vld [tilespmem:$0x10];
	v2 =	vadd.s32 $0xAAE60, v44;
	[tilespmem:$0x100] =	vst v49  }
0x6a: {  	v55 =	vld [tilespmem:$0x0];
	v53 =	vadd.s32 $0xDBBA0, v47;
	[tilespmem:$0x110] =	vst v2  }
0x6b: {  	v57 =	vld [tilespmem:$0x0];
	v56 =	vadd.s32 $0xF4240, v50;
	[tilespmem:$0x140] =	vst v53  }
0x6c: {  	v58 =	vld [tilespmem:$0x0];
	v6 =	vadd.s32 $0x927C0, v51;
	[tilespmem:$0x160] =	vst v56  }
0x6d: {  	v40 =	vld [tilespmem:$0x10];
	v59 =	vadd.s32 $0x10C8E0, v52;
	[tilespmem:$0xF0] =	vst v6  }
0x6e: {  	v45 =	vld [tilespmem:$0x0];
	v60 =	vadd.s32 $0x10C8E0, v54;
	[tilespmem:$0x180] =	vst v59  }
0x6f: {  	v48 =	vld [tilespmem:$0x10];
	v61 =	vadd.s32 $0x124F80, v55;
	[tilespmem:$0x190] =	vst v60  }
0x70: {  	v62 =	vadd.s32 $0x13D620, v57;
	[tilespmem:$0x1A0] =	vst v61  }
0x71: {  	v63 =	vadd.s32 $0x155CC0, v58;
	[tilespmem:$0x1C0] =	vst v62  }
0x72: {  	v3 =	vadd.s32 $0x30D40, v40;
	[tilespmem:$0x1E0] =	vst v63  }
0x73: {  	v1 =	vadd.s32 $0xC3500, v45;
	[tilespmem:$0x70] =	vst v3  }
0x74: {  	v0 =	vadd.s32 $0xDBBA0, v48;
	[tilespmem:$0x120] =	vst v1  }
0x75: {  	[tilespmem:$0x150] =	vst v0  }
0x76: {  	[tilespmem:s6], [sflag:$0x1] =	stream.indirect.gather [hbm4b:s4+s7], $0x1, s9, s7, $0xb8;
	[tilespmem:$0x420] =	vst v63  }
0x77: {  	_ = 	snop  }
0x78: {  	[tilespmem:s11], [sflag:$0x1] =	stream.indirect.gather [hbm4b:s4+s7], $0x1, s10, s7, $0xb8;
	[tilespmem:$0x420] =	vst v63  }
0x79: {  	_ = 	snop  }
0x7a: {  	[tilespmem:s13], [sflag:$0x1] =	stream.indirect.gather [hbm4b:s4+s7], $0x1, s12, s7, $0xb8;
	[tilespmem:$0x420] =	vst v63  }
0x7b: {  	_ = 	snop  }
0x7c: {  	[tilespmem:s15], [sflag:$0x1] =	stream.indirect.gather [hbm4b:s4+s7], $0x1, s14, s7, $0xb8;
	[tilespmem:$0x420] =	vst v63  }
0x7d: {  	_ =	swait.ge [sflag:s8], $0x80  }
0x7e: {  	[sflag:s8] =	ssyncset.done $0x0  }
0x7f: {  	[sflag:s8] =	ssyncadd.s32 $0xFFFFFF80  }
0x80: {  	_ =	swait.ge [sflag:s8], $0x80  }
0x81: {  	[sflag:s8] =	ssyncset.done $0x0  }
0x82: {  	[sflag:s8] =	ssyncadd.s32 $0xFFFFFF80  }
0x83: {  	_ =	swait.ge [sflag:s8], $0x80  }
0x84: {  	[sflag:s8] =	ssyncset.done $0x0  }
0x85: {  	[sflag:s8] =	ssyncadd.s32 $0xFFFFFF80  }
0x86: {  	_ =	swait.ge [sflag:s8], $0x80  }
0x87: {  	[sflag:s8] =	ssyncset.done $0x0  }
0x88: {  	[sflag:s8] =	ssyncadd.s32 $0xFFFFFF80  }
0x89: {  	[hbm4b:s5+s2] =	stream.linear.scatter [tilespmem:s6], [sflag:$0x2], $0x200, $0x38;
	[tilespmem:$0x420] =	vst v63  }
0x8a: {  	_ =	swait.ge [sflag:s3], $0x200  }
0x8b: {  	[sflag:s3] =	ssyncset.done $0x0  }
0x8c: {  	[sflag:s3] =	ssyncadd.s32 $0xFFFFFE00  }
0x8d: {  	_ =	sfence.sel $0x180000  }
0x8e: {  	[bflag:$0x0] =	sbarrier.arrive $0xFFFF  }
0x8f: {  	p0 =	sne.s32 s0, $0x0;
	_ =	strace $0x90000047  }
0x90: {  	s0 =	sadd.s32 @!p0 $0x100000, s1;
	[bflag:$0x2] =	sbarrier.arrive $0xFFFF  }
0x91: {  	[sflag:s0] =	ssyncadd.tile.s32 @!p0 $0x1;
	_ =	shalt  }
.Lfunc_end2:
_tile_overlayer_lowered:
.L_overlay_start_2:
0x92: {  	(tag) =	ssettag $0x2  }
0x93: {  	s0 =	rddreg [dreg:$0x0];
	s2 =	stileid.u32  }
0x94: {  	s1 =	rddreg [dreg:$0x1];
	p0 =	sne.s32 s2, $0x0  }
0x95: {  	s3 =	rddreg [dreg:$0x2];
	[bflag:$0x3] =	sbarrier.arrive $0xFFFF;
	s2 =	simm.s32 @!p0 $0x1C02  }
0x96: {  	[timem:s3], [sflag:s2] =	dma.local @!p0 [hbm:s0], s1  }
0x97: {  	s0 =	simm.s32 @!p0 $0x2  }
0x98: {  	_ =	swait.ge @!p0 [sflag:s0], s1  }
0x99: {  	s1 =	ssub.s32 @!p0 $0x0, s1;
	[sflag:s0] =	ssyncset.done @!p0 $0x0  }
0x9a: {  	[sflag:s0] =	ssyncadd.s32 @!p0 s1  }
0x9b: {  	[bflag:$0x3] =	sbarrier.arrive $0xFFFF  }
0x9c: {  	_ =	shalt  }

</sc_bundles>
